<compile_context>
chip_gen: v7x
topology: tpu7x:2x2x1
jax: 0.10.2.dev20260603
libtpu: 0.0.44.dev20260713+nightly
codegen_flags: <defaults>
</compile_context>

<pallas_src>
import functools
import jax
import jax.numpy as jnp
from jax import lax
from jax.experimental import pallas as pl
from jax.experimental.pallas import tpu as pltpu
from jax.experimental.pallas import tpu_sc as plsc

T = 4096
B = 16
WIN = 512
MAXN = 513
TS = 512
NT = T // TS
PADR = T + 2 * TS

_f32 = jnp.float32
_bf16 = jnp.bfloat16
_i32 = jnp.int32


def _dot(a, b):
    return lax.dot_general(a, b, (((1,), (0,)), ((), ())),
                           preferred_element_type=_f32)


def _dotT(a, b):
    return lax.dot_general(a, b, (((0,), (0,)), ((), ())),
                           preferred_element_type=_f32)


def _prep_kernel(cu_ref,
                 kds_W1_ref, kds_b1_ref, kds_W2_ref, kds_b2_ref,
                 segc_ref, segr_ref,
                 S_ref, ohl_ref, tab_ref):
    iota_t = lax.broadcasted_iota(_i32, (1, T), 1)
    iota_n = lax.broadcasted_iota(_i32, (1, MAXN), 1)
    for s in range(B):
        c = cu_ref[s]
        n = cu_ref[s + 1]
        S_ref[s:s + 1, :] = ((iota_t >= c) & (iota_t < n)).astype(_f32)
        ohl_ref[s:s + 1, :] = (iota_n == (n - c)).astype(_f32)

    ar_col = lax.broadcasted_iota(_i32, (B, 1), 0).astype(_f32)
    segc_ref[...] = _dotT(S_ref[...], ar_col)
    segr_ref[...] = jnp.full((1, PADR), -1.0, _f32)
    segr_ref[0:1, TS:TS + T] = _dotT(ar_col, S_ref[...])

    tab_ref[...] = _dot(jax.nn.relu(kds_W1_ref[...] + kds_b1_ref[...]),
                        kds_W2_ref[...]) + kds_b2_ref[...]


def _rank_kernel(magc_ref, segc_ref, magr_ref, segr_ref, rank_ref):
    i = pl.program_id(0)
    mag_c = magc_ref[...]
    seg_c = segc_ref[...]
    tri = (lax.broadcasted_iota(_i32, (TS, TS), 1) <
           lax.broadcasted_iota(_i32, (TS, TS), 0))
    ones = jnp.ones((TS, 1), _bf16)
    cnt = jnp.zeros((TS, 1), _f32)
    for k in range(3):
        off = (i + k) * TS
        mag_r = magr_ref[0:1, pl.ds(off, TS)]
        seg_r = segr_ref[0:1, pl.ds(off, TS)]
        less = mag_r < mag_c
        if k == 0:
            cm = less | (mag_r == mag_c)
        elif k == 1:
            cm = less | ((mag_r == mag_c) & tri)
        else:
            cm = less
        m = (cm & (seg_r == seg_c)).astype(_bf16)
        cnt = cnt + _dot(m, ones)
    rank_ref[...] = cnt.astype(_i32)


def _sc_gather(kds_tab, rank):
    info = plsc.get_sparse_core_info()
    NC, NS = info.num_cores, info.num_subcores
    NW = NC * NS
    bpw = T // NW
    mesh = plsc.VectorSubcoreMesh(core_axis_name="c", subcore_axis_name="s")

    @functools.partial(
        pl.kernel, mesh=mesh,
        out_type=jax.ShapeDtypeStruct((T, 128), _f32),
        scratch_types=[
            pltpu.VMEM((bpw,), _i32),
            pltpu.VMEM((bpw, 128), _f32),
            pltpu.SemaphoreType.DMA,
        ],
    )
    def k(tab_hbm, idx_hbm, o_hbm, idx_v, r_v, sem):
        wid = lax.axis_index("s") * NC + lax.axis_index("c")
        base = wid * bpw
        pltpu.sync_copy(idx_hbm.at[pl.ds(base, bpw)], idx_v)
        cp = pltpu.async_copy(tab_hbm.at[idx_v], r_v, sem)
        cp.wait()
        pltpu.sync_copy(r_v, o_hbm.at[pl.ds(base, bpw)])

    return k(kds_tab, rank)


def _vds_kernel(flat_ref, vds_W1_ref, vds_b1_ref, vds_W2_ref, vds_b2_ref,
                vds_tok_ref):
    fl = flat_ref[...]
    vds_tok_ref[...] = (_dot(jax.nn.relu(_dot(fl, vds_W1_ref[...]) +
                                         vds_b1_ref[...]),
                             vds_W2_ref[...]) + vds_b2_ref[...])


def _ds_kernel(vds_tok_ref, kds_tok_ref, S_ref,
               eds_W1_ref, eds_b1_ref, eds_W2_ref, eds_b2_ref,
               km_W1b_ref, zds_ref, cseg_ref, y2ds_scr):
    i = pl.program_id(0)

    @pl.when(i == 0)
    def _():
        y2ds_scr[...] = jnp.zeros((B, 128), _f32)

    y2ds_scr[...] += _dot(S_ref[...], vds_tok_ref[...] * kds_tok_ref[...])

    @pl.when(i == NT - 1)
    def _():
        z_ds = _dot(jax.nn.relu(_dot(y2ds_scr[...], eds_W1_ref[...]) +
                                eds_b1_ref[...]),
                    eds_W2_ref[...]) + eds_b2_ref[...]
        zds_ref[...] = z_ds
        cseg_ref[...] = _dot(z_ds, km_W1b_ref[...])


def _main_kernel(flat_ref, rank_ref, S_ref, zds_ref, cseg_ref, ohl_ref,
                 km_W1a_ref, km_b1_ref, km_W2_ref, km_b2_ref,
                 vm_W1a_ref, vm_W1b_ref, vm_b1_ref, vm_W2_ref, vm_b2_ref,
                 em_W1a_ref, em_W1b_ref, em_b1_ref, em_W2_ref, em_b2_ref,
                 out_ref, y2_scr):
    i = pl.program_id(0)

    @pl.when(i == 0)
    def _():
        y2_scr[...] = jnp.zeros((B, 64), _f32)

    fl = flat_ref[...]
    St = S_ref[...]
    P = (rank_ref[...] ==
         lax.broadcasted_iota(_i32, (TS, WIN), 1)).astype(_bf16)
    g = jax.nn.relu(_dot(P, km_W1a_ref[...]) + _dotT(St, cseg_ref[...])
                    + km_b1_ref[...])
    y_key = _dot(g, km_W2_ref[...]) + km_b2_ref[...]
    z_tok = _dotT(St, zds_ref[...])
    h = jax.nn.relu(_dot(fl, vm_W1a_ref[...]) + _dot(z_tok, vm_W1b_ref[...])
                    + vm_b1_ref[...])
    y_val = _dot(h, vm_W2_ref[...]) + vm_b2_ref[...]
    y2_scr[...] += _dot(St, y_val * y_key)

    @pl.when(i == NT - 1)
    def _():
        len_part = _dot(ohl_ref[...], em_W1b_ref[...])
        hE = jax.nn.relu(_dot(y2_scr[...], em_W1a_ref[...]) + len_part
                         + em_b1_ref[...])
        out_ref[...] = _dot(hE, em_W2_ref[...]) + em_b2_ref[...]


def _vm(block=None, imap=None):
    if block is None:
        return pl.BlockSpec(memory_space=pltpu.VMEM)
    return pl.BlockSpec(block, imap, memory_space=pltpu.VMEM)


def kernel(flat, cu_seqlens, params):
    p = params
    r2 = lambda b: b.reshape(1, -1)
    cu = cu_seqlens.astype(_i32)

    magc = flat @ p["rank_W"] + p["rank_b"]
    magr = jnp.pad(magc.reshape(1, T), ((0, 0), (TS, TS)))

    segc, segr, S, ohl, kds_tab = pl.pallas_call(
        _prep_kernel,
        out_shape=(jax.ShapeDtypeStruct((T, 1), _f32),
                   jax.ShapeDtypeStruct((1, PADR), _f32),
                   jax.ShapeDtypeStruct((B, T), _f32),
                   jax.ShapeDtypeStruct((B, MAXN), _f32),
                   jax.ShapeDtypeStruct((WIN, 128), _f32)),
        in_specs=[pl.BlockSpec(memory_space=pltpu.SMEM)] + [_vm()] * 4,
        out_specs=(_vm(),) * 5,
    )(cu,
      p["key_ds"]["W1"][:WIN], r2(p["key_ds"]["b1"]),
      p["key_ds"]["W2"], r2(p["key_ds"]["b2"]))

    rank = pl.pallas_call(
        _rank_kernel,
        grid=(NT,),
        out_shape=jax.ShapeDtypeStruct((T, 1), _i32),
        in_specs=[_vm((TS, 1), lambda i: (i, 0)),
                  _vm((TS, 1), lambda i: (i, 0)),
                  _vm(), _vm()],
        out_specs=_vm((TS, 1), lambda i: (i, 0)),
    )(magc, segc, magr, segr)

    vds_tok = pl.pallas_call(
        _vds_kernel,
        grid=(NT,),
        out_shape=jax.ShapeDtypeStruct((T, 128), _f32),
        in_specs=[_vm((TS, 128), lambda i: (i, 0))] + [_vm()] * 4,
        out_specs=_vm((TS, 128), lambda i: (i, 0)),
    )(flat,
      p["val_ds"]["W1"], r2(p["val_ds"]["b1"]),
      p["val_ds"]["W2"], r2(p["val_ds"]["b2"]))

    kds_tok = _sc_gather(kds_tab, rank.reshape(T))

    z_ds, c_seg = pl.pallas_call(
        _ds_kernel,
        grid=(NT,),
        out_shape=(jax.ShapeDtypeStruct((B, 128), _f32),
                   jax.ShapeDtypeStruct((B, 352), _f32)),
        in_specs=[_vm((TS, 128), lambda i: (i, 0)),
                  _vm((TS, 128), lambda i: (i, 0)),
                  _vm((B, TS), lambda i: (0, i))] + [_vm()] * 5,
        out_specs=(_vm((B, 128), lambda i: (0, 0)),
                   _vm((B, 352), lambda i: (0, 0))),
        scratch_shapes=[pltpu.VMEM((B, 128), _f32)],
    )(vds_tok, kds_tok, S,
      p["enc_ds"]["W1"], r2(p["enc_ds"]["b1"]),
      p["enc_ds"]["W2"], r2(p["enc_ds"]["b2"]),
      p["key_main"]["W1"][MAXN:])

    return pl.pallas_call(
        _main_kernel,
        grid=(NT,),
        out_shape=jax.ShapeDtypeStruct((B, 64), _f32),
        in_specs=[_vm((TS, 128), lambda i: (i, 0)),
                  _vm((TS, 1), lambda i: (i, 0)),
                  _vm((B, TS), lambda i: (0, i)),
                  _vm(), _vm(), _vm()] + [_vm()] * 14,
        out_specs=_vm((B, 64), lambda i: (0, 0)),
        scratch_shapes=[pltpu.VMEM((B, 64), _f32)],
    )(flat, rank, S, z_ds, c_seg, ohl,
      p["key_main"]["W1"][:WIN].astype(_bf16), r2(p["key_main"]["b1"]),
      p["key_main"]["W2"], r2(p["key_main"]["b2"]),
      p["val_main"]["W1"][:128], p["val_main"]["W1"][128:],
      r2(p["val_main"]["b1"]), p["val_main"]["W2"], r2(p["val_main"]["b2"]),
      p["enc_main"]["W1"][:64], p["enc_main"]["W1"][64:],
      r2(p["enc_main"]["b1"]), p["enc_main"]["W2"], r2(p["enc_main"]["b2"]))

# --- scband reference (transcript-rebuilt; emitter-appended) ---
"""Pipeline reference for scband-encoder-62740882260638 (READ-ONLY COPY).

The authoritative reference and input builder live on the scoring server;
editing this copy changes nothing except your own understanding.
"""

import jax, jax.numpy as jnp
import numpy as np

# fixed ragged segment lengths: 16 segments, all <= 512, sum = 4096
LENGTHS = [512, 500, 480, 400, 350, 300, 280, 256, 230, 200, 180, 150, 120, 80, 40, 18]


def _mlp_params(key, din, dout):
    # build_mlp(nlayers=2, midmult=1.0): Linear(din,mid) -> ReLU -> Linear(mid,dout), mid=(din+dout)//2
    mid = (din + dout) // 2
    k1, k2 = jax.random.split(key)
    return {
        "W1": jax.random.normal(k1, (din, mid), jnp.float32) * (1.0 / np.sqrt(din)),
        "b1": jnp.zeros((mid,), jnp.float32),
        "W2": jax.random.normal(k2, (mid, dout), jnp.float32) * (1.0 / np.sqrt(mid)),
        "b2": jnp.zeros((dout,), jnp.float32),
    }


def _mlp(x, p):
    h = jax.nn.relu(x @ p["W1"] + p["b1"])
    return h @ p["W2"] + p["b2"]


def setup_inputs(seed: int = 0):
    key = jax.random.key(seed)
    ks = jax.random.split(key, 8)
    lengths = np.asarray(LENGTHS, np.int32)
    T = int(lengths.sum())  # 4096
    cu = np.zeros(len(lengths) + 1, np.int32)
    cu[1:] = np.cumsum(lengths)
    dim, hidden, max_n = 128, 64, 513  # max_n = init max_n + 1
    flat = jax.random.normal(ks[0], (T, dim), jnp.float32)
    params = {
        "rank_W": jax.random.normal(ks[1], (dim, 1), jnp.float32) * (1.0 / np.sqrt(dim)),
        "rank_b": jnp.zeros((1,), jnp.float32),
        "key_ds": _mlp_params(ks[2], max_n, dim),
        "val_ds": _mlp_params(ks[3], dim, dim),
        "enc_ds": _mlp_params(ks[4], dim, dim),
        "key_main": _mlp_params(ks[5], max_n + dim, hidden),
        "val_main": _mlp_params(ks[6], dim + dim, hidden),
        "enc_main": _mlp_params(ks[7], hidden + max_n, hidden),
    }
    return {"flat": flat, "cu_seqlens": jnp.asarray(cu), "params": params}


def reference(flat, cu_seqlens, params):
    T = flat.shape[0]
    B = cu_seqlens.shape[0] - 1
    max_n = params["key_ds"]["W1"].shape[0]
    lengths = cu_seqlens[1:] - cu_seqlens[:-1]
    seg_ids = jnp.repeat(jnp.arange(B), lengths, total_repeat_length=T)
    # self.sort: rank each token, sort within each segment by rank (stable, segments stay contiguous)
    mag = (flat @ params["rank_W"] + params["rank_b"])[:, 0]
    perm = jnp.lexsort((mag, seg_ids))
    x = flat[perm]
    # keys = onehot positional encoding of within-segment position
    pos = jnp.arange(T) - cu_seqlens[:-1][seg_ids]
    keys = jax.nn.one_hot(pos, max_n, dtype=x.dtype)
    # deepset branch
    y1_ds = _mlp(x, params["val_ds"]) * _mlp(keys, params["key_ds"])
    y2_ds = jax.ops.segment_sum(y1_ds, seg_ids, num_segments=B)
    z_ds = _mlp(y2_ds, params["enc_ds"])
    # main branch: broadcast deepset latent back to tokens (cat_nested with z_ds.unsqueeze(1))
    z_tok = z_ds[seg_ids]
    x_in = jnp.concatenate([x, z_tok], axis=-1)
    pos_in = jnp.concatenate([keys, z_tok], axis=-1)
    y1 = _mlp(x_in, params["val_main"]) * _mlp(pos_in, params["key_main"])
    y2 = jax.ops.segment_sum(y1, seg_ids, num_segments=B)
    pos_n = jax.nn.one_hot(lengths, max_n, dtype=x.dtype)
    y3 = jnp.concatenate([y2, pos_n], axis=-1)
    z = _mlp(y3, params["enc_main"])
    return z

if __name__ == "__main__":
    import jax
    _d = setup_inputs()
    print(jax.jit(kernel)(*tuple(_d.values())))

</pallas_src>

<mosaic_0001>
#map = affine_map<(d0, d1) -> (0, 0)>
#map1 = affine_map<(d0, d1) -> (0)>
module attributes {stable_mosaic.version = 14 : i64} {
  func.func @k(%arg0: i32, %arg1: i32, %arg2: memref<512x128xf32, #tpu.memory_space<hbm>>, %arg3: memref<4096xi32, #tpu.memory_space<hbm>>, %arg4: memref<4096x128xf32, #tpu.memory_space<hbm>>, %arg5: memref<128xi32, #tpu.memory_space<vmem>>, %arg6: memref<128x128xf32, #tpu.memory_space<vmem>>, %arg7: memref<!tpu.dma_semaphore, #tpu.memory_space<semaphore_mem>>) attributes {dimension_semantics = [#tpu.dimension_semantics<core_parallel>, #tpu.dimension_semantics<subcore_parallel>], iteration_bounds = array<i64: 2, 16>, scalar_prefetch = 0 : i64, scratch_operands = 3 : i64, tpu.core_type = #tpu.core_type<sc_vector_subcore>, window_params = [{transform_indices = #map}, {transform_indices = #map1}, {transform_indices = #map}]} {
    %mul3A = arith.constant 2 : i32
    %mul3A_0 = arith.muli %arg1, %mul3A : i32
    %add3A = arith.addi %mul3A_0, %arg0 : i32
    %mul3A_1 = arith.constant 128 : i32
    %mul3A_2 = arith.muli %add3A, %mul3A_1 : i32
    "tpu.region"() ({
      %run_scoped3A = tpu.sem_alloc : memref<!tpu.dma_semaphore, #tpu.memory_space<semaphore_mem>>
      %dma_start3A_7 = tpu.memref_slice %arg3[%mul3A_2] : memref<4096xi32, #tpu.memory_space<hbm>> -> memref<128xi32, #tpu.memory_space<hbm>>
      %dma_start3A_8 = tpu.memref_slice %arg3[%mul3A_2] : memref<4096xi32, #tpu.memory_space<hbm>> -> memref<128xi32, #tpu.memory_space<hbm>>
      tpu.enqueue_dma source(%dma_start3A_8 : memref<128xi32, #tpu.memory_space<hbm>>) target(%arg5 : memref<128xi32, #tpu.memory_space<vmem>>) target_semaphore(%run_scoped3A : memref<!tpu.dma_semaphore, #tpu.memory_space<semaphore_mem>>)
      %dma_wait3A_9 = tpu.memref_slice %arg3[%mul3A_2] : memref<4096xi32, #tpu.memory_space<hbm>> -> memref<128xi32, #tpu.memory_space<hbm>>
      %dma_wait3A_10 = tpu.memref_slice %arg3[%mul3A_2] : memref<4096xi32, #tpu.memory_space<hbm>> -> memref<128xi32, #tpu.memory_space<hbm>>
      tpu.wait_dma2 semaphore(%run_scoped3A : memref<!tpu.dma_semaphore, #tpu.memory_space<semaphore_mem>>) src(%dma_wait3A_10 : memref<128xi32, #tpu.memory_space<hbm>>) dst(%arg5 : memref<128xi32, #tpu.memory_space<vmem>>)
      tpu.yield
    }) : () -> ()
    %dma_start3A = arith.constant 0 : i32
    %dma_start3A_3 = arith.constant 0 : i32
    %dma_start3A_4 = tpu.memref_slice %arg2[%dma_start3A, %dma_start3A_3] : memref<512x128xf32, #tpu.memory_space<hbm>> -> memref<512x128xf32, #tpu.memory_space<hbm>>
    tpu.enqueue_indirect_dma source(%dma_start3A_4 : memref<512x128xf32, #tpu.memory_space<hbm>>) target(%arg6 : memref<128x128xf32, #tpu.memory_space<vmem>>) offsets(%arg5 : memref<128xi32, #tpu.memory_space<vmem>>) semaphore(%arg7 : memref<!tpu.dma_semaphore, #tpu.memory_space<semaphore_mem>>)
    %dma_wait3A = arith.constant 0 : i32
    %dma_wait3A_5 = arith.constant 0 : i32
    %dma_wait3A_6 = tpu.memref_slice %arg2[%dma_wait3A, %dma_wait3A_5] : memref<512x128xf32, #tpu.memory_space<hbm>> -> memref<512x128xf32, #tpu.memory_space<hbm>>
    tpu.wait_indirect_dma semaphore(%arg7 : memref<!tpu.dma_semaphore, #tpu.memory_space<semaphore_mem>>) src(%dma_wait3A_6 : memref<512x128xf32, #tpu.memory_space<hbm>>) dst(%arg6 : memref<128x128xf32, #tpu.memory_space<vmem>>)
    "tpu.region"() ({
      %run_scoped3A = tpu.sem_alloc : memref<!tpu.dma_semaphore, #tpu.memory_space<semaphore_mem>>
      %dma_start3A_7 = arith.constant 0 : i32
      %dma_start3A_8 = tpu.memref_slice %arg4[%mul3A_2, %dma_start3A_7] : memref<4096x128xf32, #tpu.memory_space<hbm>> -> memref<128x128xf32, #tpu.memory_space<hbm>>
      %dma_start3A_9 = arith.constant 0 : i32
      %dma_start3A_10 = tpu.memref_slice %arg4[%mul3A_2, %dma_start3A_9] : memref<4096x128xf32, #tpu.memory_space<hbm>> -> memref<128x128xf32, #tpu.memory_space<hbm>>
      tpu.enqueue_dma source(%arg6 : memref<128x128xf32, #tpu.memory_space<vmem>>) target(%dma_start3A_10 : memref<128x128xf32, #tpu.memory_space<hbm>>) target_semaphore(%run_scoped3A : memref<!tpu.dma_semaphore, #tpu.memory_space<semaphore_mem>>)
      %dma_wait3A_11 = arith.constant 0 : i32
      %dma_wait3A_12 = tpu.memref_slice %arg4[%mul3A_2, %dma_wait3A_11] : memref<4096x128xf32, #tpu.memory_space<hbm>> -> memref<128x128xf32, #tpu.memory_space<hbm>>
      %dma_wait3A_13 = arith.constant 0 : i32
      %dma_wait3A_14 = tpu.memref_slice %arg4[%mul3A_2, %dma_wait3A_13] : memref<4096x128xf32, #tpu.memory_space<hbm>> -> memref<128x128xf32, #tpu.memory_space<hbm>>
      tpu.wait_dma2 semaphore(%run_scoped3A : memref<!tpu.dma_semaphore, #tpu.memory_space<semaphore_mem>>) src(%arg6 : memref<128x128xf32, #tpu.memory_space<vmem>>) dst(%dma_wait3A_14 : memref<128x128xf32, #tpu.memory_space<hbm>>)
      tpu.yield
    }) : () -> ()
    return
  }
}

module attributes {stable_mosaic.version = 14 : i64} {
  func.func @_prep_kernel(%arg0: memref<17xi32, #tpu.memory_space<smem>>, %arg1: memref<512x320xf32, #tpu.memory_space<vmem>>, %arg2: memref<1x320xf32, #tpu.memory_space<vmem>>, %arg3: memref<320x128xf32, #tpu.memory_space<vmem>>, %arg4: memref<1x128xf32, #tpu.memory_space<vmem>>, %arg5: memref<4096x1xf32, #tpu.memory_space<vmem>>, %arg6: memref<1x5120xf32, #tpu.memory_space<vmem>>, %arg7: memref<16x4096xf32, #tpu.memory_space<vmem>>, %arg8: memref<16x513xf32, #tpu.memory_space<vmem>>, %arg9: memref<512x128xf32, #tpu.memory_space<vmem>>) attributes {dimension_semantics = [], scalar_prefetch = 0 : i64, scratch_operands = 0 : i64, tpu.core_type = #tpu.core_type<tc>} {
    %iota3A = tpu.iota {dimensions = array<i32: 1>} : vector<1x4096xi32>
    %iota3A_0 = tpu.iota {dimensions = array<i32: 1>} : vector<1x513xi32>
    %get3A = arith.constant 0 : index
    %get3A_1 = memref.load %arg0[%get3A] : memref<17xi32, #tpu.memory_space<smem>>
    %get3A_2 = arith.constant 1 : index
    %get3A_3 = memref.load %arg0[%get3A_2] : memref<17xi32, #tpu.memory_space<smem>>
    %ge3A = vector.broadcast %get3A_1 : i32 to vector<1x4096xi32>
    %ge3A_4 = arith.cmpi sge, %iota3A, %ge3A : vector<1x4096xi32>
    %lt3A = vector.broadcast %get3A_3 : i32 to vector<1x4096xi32>
    %lt3A_5 = arith.cmpi slt, %iota3A, %lt3A : vector<1x4096xi32>
    %and3A = arith.andi %ge3A_4, %lt3A_5 : vector<1x4096xi1>
    %convert_element_type3A = arith.extui %and3A : vector<1x4096xi1> to vector<1x4096xi32>
    %convert_element_type3A_6 = arith.sitofp %convert_element_type3A : vector<1x4096xi32> to vector<1x4096xf32>
    %swap3A = arith.constant 0 : index
    %swap3A_7 = arith.constant 0 : index
    %swap3A_8 = vector.load %arg7[%swap3A, %swap3A_7] : memref<16x4096xf32, #tpu.memory_space<vmem>>, vector<1x4096xf32>
    tpu.vector_store %arg7[%swap3A, %swap3A_7], %convert_element_type3A_6 {strides = array<i32>} : memref<16x4096xf32, #tpu.memory_space<vmem>>, vector<1x4096xf32>,
    %sub3A = arith.subi %get3A_3, %get3A_1 : i32
    %eq3A = vector.broadcast %sub3A : i32 to vector<1x513xi32>
    %eq3A_9 = arith.cmpi eq, %iota3A_0, %eq3A : vector<1x513xi32>
    %convert_element_type3A_10 = arith.extui %eq3A_9 : vector<1x513xi1> to vector<1x513xi32>
    %convert_element_type3A_11 = arith.sitofp %convert_element_type3A_10 : vector<1x513xi32> to vector<1x513xf32>
    %swap3A_12 = arith.constant 0 : index
    %swap3A_13 = arith.constant 0 : index
    %swap3A_14 = vector.load %arg8[%swap3A_12, %swap3A_13] : memref<16x513xf32, #tpu.memory_space<vmem>>, vector<1x513xf32>
    tpu.vector_store %arg8[%swap3A_12, %swap3A_13], %convert_element_type3A_11 {strides = array<i32>} : memref<16x513xf32, #tpu.memory_space<vmem>>, vector<1x513xf32>,
    %get3A_15 = arith.constant 1 : index
    %get3A_16 = memref.load %arg0[%get3A_15] : memref<17xi32, #tpu.memory_space<smem>>
    %get3A_17 = arith.constant 2 : index
    %get3A_18 = memref.load %arg0[%get3A_17] : memref<17xi32, #tpu.memory_space<smem>>
    %ge3A_19 = vector.broadcast %get3A_16 : i32 to vector<1x4096xi32>
    %ge3A_20 = arith.cmpi sge, %iota3A, %ge3A_19 : vector<1x4096xi32>
    %lt3A_21 = vector.broadcast %get3A_18 : i32 to vector<1x4096xi32>
    %lt3A_22 = arith.cmpi slt, %iota3A, %lt3A_21 : vector<1x4096xi32>
    %and3A_23 = arith.andi %ge3A_20, %lt3A_22 : vector<1x4096xi1>
    %convert_element_type3A_24 = arith.extui %and3A_23 : vector<1x4096xi1> to vector<1x4096xi32>
    %convert_element_type3A_25 = arith.sitofp %convert_element_type3A_24 : vector<1x4096xi32> to vector<1x4096xf32>
    %swap3A_26 = arith.constant 1 : index
    %swap3A_27 = arith.constant 0 : index
    %swap3A_28 = vector.load %arg7[%swap3A_26, %swap3A_27] : memref<16x4096xf32, #tpu.memory_space<vmem>>, vector<1x4096xf32>
    tpu.vector_store %arg7[%swap3A_26, %swap3A_27], %convert_element_type3A_25 {strides = array<i32>} : memref<16x4096xf32, #tpu.memory_space<vmem>>, vector<1x4096xf32>,
    %sub3A_29 = arith.subi %get3A_18, %get3A_16 : i32
    %eq3A_30 = vector.broadcast %sub3A_29 : i32 to vector<1x513xi32>
    %eq3A_31 = arith.cmpi eq, %iota3A_0, %eq3A_30 : vector<1x513xi32>
    %convert_element_type3A_32 = arith.extui %eq3A_31 : vector<1x513xi1> to vector<1x513xi32>
    %convert_element_type3A_33 = arith.sitofp %convert_element_type3A_32 : vector<1x513xi32> to vector<1x513xf32>
    %swap3A_34 = arith.constant 1 : index
    %swap3A_35 = arith.constant 0 : index
    %swap3A_36 = vector.load %arg8[%swap3A_34, %swap3A_35] : memref<16x513xf32, #tpu.memory_space<vmem>>, vector<1x513xf32>
    tpu.vector_store %arg8[%swap3A_34, %swap3A_35], %convert_element_type3A_33 {strides = array<i32>} : memref<16x513xf32, #tpu.memory_space<vmem>>, vector<1x513xf32>,
    %get3A_37 = arith.constant 2 : index
    %get3A_38 = memref.load %arg0[%get3A_37] : memref<17xi32, #tpu.memory_space<smem>>
    %get3A_39 = arith.constant 3 : index
    %get3A_40 = memref.load %arg0[%get3A_39] : memref<17xi32, #tpu.memory_space<smem>>
    %ge3A_41 = vector.broadcast %get3A_38 : i32 to vector<1x4096xi32>
    %ge3A_42 = arith.cmpi sge, %iota3A, %ge3A_41 : vector<1x4096xi32>
    %lt3A_43 = vector.broadcast %get3A_40 : i32 to vector<1x4096xi32>
    %lt3A_44 = arith.cmpi slt, %iota3A, %lt3A_43 : vector<1x4096xi32>
    %and3A_45 = arith.andi %ge3A_42, %lt3A_44 : vector<1x4096xi1>
    %convert_element_type3A_46 = arith.extui %and3A_45 : vector<1x4096xi1> to vector<1x4096xi32>
    %convert_element_type3A_47 = arith.sitofp %convert_element_type3A_46 : vector<1x4096xi32> to vector<1x4096xf32>
    %swap3A_48 = arith.constant 2 : index
    %swap3A_49 = arith.constant 0 : index
    %swap3A_50 = vector.load %arg7[%swap3A_48, %swap3A_49] : memref<16x4096xf32, #tpu.memory_space<vmem>>, vector<1x4096xf32>
    tpu.vector_store %arg7[%swap3A_48, %swap3A_49], %convert_element_type3A_47 {strides = array<i32>} : memref<16x4096xf32, #tpu.memory_space<vmem>>, vector<1x4096xf32>,
    %sub3A_51 = arith.subi %get3A_40, %get3A_38 : i32
    %eq3A_52 = vector.broadcast %sub3A_51 : i32 to vector<1x513xi32>
    %eq3A_53 = arith.cmpi eq, %iota3A_0, %eq3A_52 : vector<1x513xi32>
    %convert_element_type3A_54 = arith.extui %eq3A_53 : vector<1x513xi1> to vector<1x513xi32>
    %convert_element_type3A_55 = arith.sitofp %convert_element_type3A_54 : vector<1x513xi32> to vector<1x513xf32>
    %swap3A_56 = arith.constant 2 : index
    %swap3A_57 = arith.constant 0 : index
    %swap3A_58 = vector.load %arg8[%swap3A_56, %swap3A_57] : memref<16x513xf32, #tpu.memory_space<vmem>>, vector<1x513xf32>
    tpu.vector_store %arg8[%swap3A_56, %swap3A_57], %convert_element_type3A_55 {strides = array<i32>} : memref<16x513xf32, #tpu.memory_space<vmem>>, vector<1x513xf32>,
    %get3A_59 = arith.constant 3 : index
    %get3A_60 = memref.load %arg0[%get3A_59] : memref<17xi32, #tpu.memory_space<smem>>
    %get3A_61 = arith.constant 4 : index
    %get3A_62 = memref.load %arg0[%get3A_61] : memref<17xi32, #tpu.memory_space<smem>>
    %ge3A_63 = vector.broadcast %get3A_60 : i32 to vector<1x4096xi32>
    %ge3A_64 = arith.cmpi sge, %iota3A, %ge3A_63 : vector<1x4096xi32>
    %lt3A_65 = vector.broadcast %get3A_62 : i32 to vector<1x4096xi32>
    %lt3A_66 = arith.cmpi slt, %iota3A, %lt3A_65 : vector<1x4096xi32>
    %and3A_67 = arith.andi %ge3A_64, %lt3A_66 : vector<1x4096xi1>
    %convert_element_type3A_68 = arith.extui %and3A_67 : vector<1x4096xi1> to vector<1x4096xi32>
    %convert_element_type3A_69 = arith.sitofp %convert_element_type3A_68 : vector<1x4096xi32> to vector<1x4096xf32>
    %swap3A_70 = arith.constant 3 : index
    %swap3A_71 = arith.constant 0 : index
    %swap3A_72 = vector.load %arg7[%swap3A_70, %swap3A_71] : memref<16x4096xf32, #tpu.memory_space<vmem>>, vector<1x4096xf32>
    tpu.vector_store %arg7[%swap3A_70, %swap3A_71], %convert_element_type3A_69 {strides = array<i32>} : memref<16x4096xf32, #tpu.memory_space<vmem>>, vector<1x4096xf32>,
    %sub3A_73 = arith.subi %get3A_62, %get3A_60 : i32
    %eq3A_74 = vector.broadcast %sub3A_73 : i32 to vector<1x513xi32>
    %eq3A_75 = arith.cmpi eq, %iota3A_0, %eq3A_74 : vector<1x513xi32>
    %convert_element_type3A_76 = arith.extui %eq3A_75 : vector<1x513xi1> to vector<1x513xi32>
    %convert_element_type3A_77 = arith.sitofp %convert_element_type3A_76 : vector<1x513xi32> to vector<1x513xf32>
    %swap3A_78 = arith.constant 3 : index
    %swap3A_79 = arith.constant 0 : index
    %swap3A_80 = vector.load %arg8[%swap3A_78, %swap3A_79] : memref<16x513xf32, #tpu.memory_space<vmem>>, vector<1x513xf32>
    tpu.vector_store %arg8[%swap3A_78, %swap3A_79], %convert_element_type3A_77 {strides = array<i32>} : memref<16x513xf32, #tpu.memory_space<vmem>>, vector<1x513xf32>,
    %get3A_81 = arith.constant 4 : index
    %get3A_82 = memref.load %arg0[%get3A_81] : memref<17xi32, #tpu.memory_space<smem>>
    %get3A_83 = arith.constant 5 : index
    %get3A_84 = memref.load %arg0[%get3A_83] : memref<17xi32, #tpu.memory_space<smem>>
    %ge3A_85 = vector.broadcast %get3A_82 : i32 to vector<1x4096xi32>
    %ge3A_86 = arith.cmpi sge, %iota3A, %ge3A_85 : vector<1x4096xi32>
    %lt3A_87 = vector.broadcast %get3A_84 : i32 to vector<1x4096xi32>
    %lt3A_88 = arith.cmpi slt, %iota3A, %lt3A_87 : vector<1x4096xi32>
    %and3A_89 = arith.andi %ge3A_86, %lt3A_88 : vector<1x4096xi1>
    %convert_element_type3A_90 = arith.extui %and3A_89 : vector<1x4096xi1> to vector<1x4096xi32>
    %convert_element_type3A_91 = arith.sitofp %convert_element_type3A_90 : vector<1x4096xi32> to vector<1x4096xf32>
    %swap3A_92 = arith.constant 4 : index
    %swap3A_93 = arith.constant 0 : index
    %swap3A_94 = vector.load %arg7[%swap3A_92, %swap3A_93] : memref<16x4096xf32, #tpu.memory_space<vmem>>, vector<1x4096xf32>
    tpu.vector_store %arg7[%swap3A_92, %swap3A_93], %convert_element_type3A_91 {strides = array<i32>} : memref<16x4096xf32, #tpu.memory_space<vmem>>, vector<1x4096xf32>,
    %sub3A_95 = arith.subi %get3A_84, %get3A_82 : i32
    %eq3A_96 = vector.broadcast %sub3A_95 : i32 to vector<1x513xi32>
    %eq3A_97 = arith.cmpi eq, %iota3A_0, %eq3A_96 : vector<1x513xi32>
    %convert_element_type3A_98 = arith.extui %eq3A_97 : vector<1x513xi1> to vector<1x513xi32>
    %convert_element_type3A_99 = arith.sitofp %convert_element_type3A_98 : vector<1x513xi32> to vector<1x513xf32>
    %swap3A_100 = arith.constant 4 : index
    %swap3A_101 = arith.constant 0 : index
    %swap3A_102 = vector.load %arg8[%swap3A_100, %swap3A_101] : memref<16x513xf32, #tpu.memory_space<vmem>>, vector<1x513xf32>
    tpu.vector_store %arg8[%swap3A_100, %swap3A_101], %convert_element_type3A_99 {strides = array<i32>} : memref<16x513xf32, #tpu.memory_space<vmem>>, vector<1x513xf32>,
    %get3A_103 = arith.constant 5 : index
    %get3A_104 = memref.load %arg0[%get3A_103] : memref<17xi32, #tpu.memory_space<smem>>
    %get3A_105 = arith.constant 6 : index
    %get3A_106 = memref.load %arg0[%get3A_105] : memref<17xi32, #tpu.memory_space<smem>>
    %ge3A_107 = vector.broadcast %get3A_104 : i32 to vector<1x4096xi32>
    %ge3A_108 = arith.cmpi sge, %iota3A, %ge3A_107 : vector<1x4096xi32>
    %lt3A_109 = vector.broadcast %get3A_106 : i32 to vector<1x4096xi32>
    %lt3A_110 = arith.cmpi slt, %iota3A, %lt3A_109 : vector<1x4096xi32>
    %and3A_111 = arith.andi %ge3A_108, %lt3A_110 : vector<1x4096xi1>
    %convert_element_type3A_112 = arith.extui %and3A_111 : vector<1x4096xi1> to vector<1x4096xi32>
    %convert_element_type3A_113 = arith.sitofp %convert_element_type3A_112 : vector<1x4096xi32> to vector<1x4096xf32>
    %swap3A_114 = arith.constant 5 : index
    %swap3A_115 = arith.constant 0 : index
    %swap3A_116 = vector.load %arg7[%swap3A_114, %swap3A_115] : memref<16x4096xf32, #tpu.memory_space<vmem>>, vector<1x4096xf32>
    tpu.vector_store %arg7[%swap3A_114, %swap3A_115], %convert_element_type3A_113 {strides = array<i32>} : memref<16x4096xf32, #tpu.memory_space<vmem>>, vector<1x4096xf32>,
    %sub3A_117 = arith.subi %get3A_106, %get3A_104 : i32
    %eq3A_118 = vector.broadcast %sub3A_117 : i32 to vector<1x513xi32>
    %eq3A_119 = arith.cmpi eq, %iota3A_0, %eq3A_118 : vector<1x513xi32>
    %convert_element_type3A_120 = arith.extui %eq3A_119 : vector<1x513xi1> to vector<1x513xi32>
    %convert_element_type3A_121 = arith.sitofp %convert_element_type3A_120 : vector<1x513xi32> to vector<1x513xf32>
    %swap3A_122 = arith.constant 5 : index
    %swap3A_123 = arith.constant 0 : index
    %swap3A_124 = vector.load %arg8[%swap3A_122, %swap3A_123] : memref<16x513xf32, #tpu.memory_space<vmem>>, vector<1x513xf32>
    tpu.vector_store %arg8[%swap3A_122, %swap3A_123], %convert_element_type3A_121 {strides = array<i32>} : memref<16x513xf32, #tpu.memory_space<vmem>>, vector<1x513xf32>,
    %get3A_125 = arith.constant 6 : index
    %get3A_126 = memref.load %arg0[%get3A_125] : memref<17xi32, #tpu.memory_space<smem>>
    %get3A_127 = arith.constant 7 : index
    %get3A_128 = memref.load %arg0[%get3A_127] : memref<17xi32, #tpu.memory_space<smem>>
    %ge3A_129 = vector.broadcast %get3A_126 : i32 to vector<1x4096xi32>
    %ge3A_130 = arith.cmpi sge, %iota3A, %ge3A_129 : vector<1x4096xi32>
    %lt3A_131 = vector.broadcast %get3A_128 : i32 to vector<1x4096xi32>
    %lt3A_132 = arith.cmpi slt, %iota3A, %lt3A_131 : vector<1x4096xi32>
    %and3A_133 = arith.andi %ge3A_130, %lt3A_132 : vector<1x4096xi1>
    %convert_element_type3A_134 = arith.extui %and3A_133 : vector<1x4096xi1> to vector<1x4096xi32>
    %convert_element_type3A_135 = arith.sitofp %convert_element_type3A_134 : vector<1x4096xi32> to vector<1x4096xf32>
    %swap3A_136 = arith.constant 6 : index
    %swap3A_137 = arith.constant 0 : index
    %swap3A_138 = vector.load %arg7[%swap3A_136, %swap3A_137] : memref<16x4096xf32, #tpu.memory_space<vmem>>, vector<1x4096xf32>
    tpu.vector_store %arg7[%swap3A_136, %swap3A_137], %convert_element_type3A_135 {strides = array<i32>} : memref<16x4096xf32, #tpu.memory_space<vmem>>, vector<1x4096xf32>,
    %sub3A_139 = arith.subi %get3A_128, %get3A_126 : i32
    %eq3A_140 = vector.broadcast %sub3A_139 : i32 to vector<1x513xi32>
    %eq3A_141 = arith.cmpi eq, %iota3A_0, %eq3A_140 : vector<1x513xi32>
    %convert_element_type3A_142 = arith.extui %eq3A_141 : vector<1x513xi1> to vector<1x513xi32>
    %convert_element_type3A_143 = arith.sitofp %convert_element_type3A_142 : vector<1x513xi32> to vector<1x513xf32>
    %swap3A_144 = arith.constant 6 : index
    %swap3A_145 = arith.constant 0 : index
    %swap3A_146 = vector.load %arg8[%swap3A_144, %swap3A_145] : memref<16x513xf32, #tpu.memory_space<vmem>>, vector<1x513xf32>
    tpu.vector_store %arg8[%swap3A_144, %swap3A_145], %convert_element_type3A_143 {strides = array<i32>} : memref<16x513xf32, #tpu.memory_space<vmem>>, vector<1x513xf32>,
    %get3A_147 = arith.constant 7 : index
    %get3A_148 = memref.load %arg0[%get3A_147] : memref<17xi32, #tpu.memory_space<smem>>
    %get3A_149 = arith.constant 8 : index
    %get3A_150 = memref.load %arg0[%get3A_149] : memref<17xi32, #tpu.memory_space<smem>>
    %ge3A_151 = vector.broadcast %get3A_148 : i32 to vector<1x4096xi32>
    %ge3A_152 = arith.cmpi sge, %iota3A, %ge3A_151 : vector<1x4096xi32>
    %lt3A_153 = vector.broadcast %get3A_150 : i32 to vector<1x4096xi32>
    %lt3A_154 = arith.cmpi slt, %iota3A, %lt3A_153 : vector<1x4096xi32>
    %and3A_155 = arith.andi %ge3A_152, %lt3A_154 : vector<1x4096xi1>
    %convert_element_type3A_156 = arith.extui %and3A_155 : vector<1x4096xi1> to vector<1x4096xi32>
    %convert_element_type3A_157 = arith.sitofp %convert_element_type3A_156 : vector<1x4096xi32> to vector<1x4096xf32>
    %swap3A_158 = arith.constant 7 : index
    %swap3A_159 = arith.constant 0 : index
    %swap3A_160 = vector.load %arg7[%swap3A_158, %swap3A_159] : memref<16x4096xf32, #tpu.memory_space<vmem>>, vector<1x4096xf32>
    tpu.vector_store %arg7[%swap3A_158, %swap3A_159], %convert_element_type3A_157 {strides = array<i32>} : memref<16x4096xf32, #tpu.memory_space<vmem>>, vector<1x4096xf32>,
    %sub3A_161 = arith.subi %get3A_150, %get3A_148 : i32
    %eq3A_162 = vector.broadcast %sub3A_161 : i32 to vector<1x513xi32>
    %eq3A_163 = arith.cmpi eq, %iota3A_0, %eq3A_162 : vector<1x513xi32>
    %convert_element_type3A_164 = arith.extui %eq3A_163 : vector<1x513xi1> to vector<1x513xi32>
    %convert_element_type3A_165 = arith.sitofp %convert_element_type3A_164 : vector<1x513xi32> to vector<1x513xf32>
    %swap3A_166 = arith.constant 7 : index
    %swap3A_167 = arith.constant 0 : index
    %swap3A_168 = vector.load %arg8[%swap3A_166, %swap3A_167] : memref<16x513xf32, #tpu.memory_space<vmem>>, vector<1x513xf32>
    tpu.vector_store %arg8[%swap3A_166, %swap3A_167], %convert_element_type3A_165 {strides = array<i32>} : memref<16x513xf32, #tpu.memory_space<vmem>>, vector<1x513xf32>,
    %get3A_169 = arith.constant 8 : index
    %get3A_170 = memref.load %arg0[%get3A_169] : memref<17xi32, #tpu.memory_space<smem>>
    %get3A_171 = arith.constant 9 : index
    %get3A_172 = memref.load %arg0[%get3A_171] : memref<17xi32, #tpu.memory_space<smem>>
    %ge3A_173 = vector.broadcast %get3A_170 : i32 to vector<1x4096xi32>
    %ge3A_174 = arith.cmpi sge, %iota3A, %ge3A_173 : vector<1x4096xi32>
    %lt3A_175 = vector.broadcast %get3A_172 : i32 to vector<1x4096xi32>
    %lt3A_176 = arith.cmpi slt, %iota3A, %lt3A_175 : vector<1x4096xi32>
    %and3A_177 = arith.andi %ge3A_174, %lt3A_176 : vector<1x4096xi1>
    %convert_element_type3A_178 = arith.extui %and3A_177 : vector<1x4096xi1> to vector<1x4096xi32>
    %convert_element_type3A_179 = arith.sitofp %convert_element_type3A_178 : vector<1x4096xi32> to vector<1x4096xf32>
    %swap3A_180 = arith.constant 8 : index
    %swap3A_181 = arith.constant 0 : index
    %swap3A_182 = vector.load %arg7[%swap3A_180, %swap3A_181] : memref<16x4096xf32, #tpu.memory_space<vmem>>, vector<1x4096xf32>
    tpu.vector_store %arg7[%swap3A_180, %swap3A_181], %convert_element_type3A_179 {strides = array<i32>} : memref<16x4096xf32, #tpu.memory_space<vmem>>, vector<1x4096xf32>,
    %sub3A_183 = arith.subi %get3A_172, %get3A_170 : i32
    %eq3A_184 = vector.broadcast %sub3A_183 : i32 to vector<1x513xi32>
    %eq3A_185 = arith.cmpi eq, %iota3A_0, %eq3A_184 : vector<1x513xi32>
    %convert_element_type3A_186 = arith.extui %eq3A_185 : vector<1x513xi1> to vector<1x513xi32>
    %convert_element_type3A_187 = arith.sitofp %convert_element_type3A_186 : vector<1x513xi32> to vector<1x513xf32>
    %swap3A_188 = arith.constant 8 : index
    %swap3A_189 = arith.constant 0 : index
    %swap3A_190 = vector.load %arg8[%swap3A_188, %swap3A_189] : memref<16x513xf32, #tpu.memory_space<vmem>>, vector<1x513xf32>
    tpu.vector_store %arg8[%swap3A_188, %swap3A_189], %convert_element_type3A_187 {strides = array<i32>} : memref<16x513xf32, #tpu.memory_space<vmem>>, vector<1x513xf32>,
    %get3A_191 = arith.constant 9 : index
    %get3A_192 = memref.load %arg0[%get3A_191] : memref<17xi32, #tpu.memory_space<smem>>
    %get3A_193 = arith.constant 10 : index
    %get3A_194 = memref.load %arg0[%get3A_193] : memref<17xi32, #tpu.memory_space<smem>>
    %ge3A_195 = vector.broadcast %get3A_192 : i32 to vector<1x4096xi32>
    %ge3A_196 = arith.cmpi sge, %iota3A, %ge3A_195 : vector<1x4096xi32>
    %lt3A_197 = vector.broadcast %get3A_194 : i32 to vector<1x4096xi32>
    %lt3A_198 = arith.cmpi slt, %iota3A, %lt3A_197 : vector<1x4096xi32>
    %and3A_199 = arith.andi %ge3A_196, %lt3A_198 : vector<1x4096xi1>
    %convert_element_type3A_200 = arith.extui %and3A_199 : vector<1x4096xi1> to vector<1x4096xi32>
    %convert_element_type3A_201 = arith.sitofp %convert_element_type3A_200 : vector<1x4096xi32> to vector<1x4096xf32>
    %swap3A_202 = arith.constant 9 : index
    %swap3A_203 = arith.constant 0 : index
    %swap3A_204 = vector.load %arg7[%swap3A_202, %swap3A_203] : memref<16x4096xf32, #tpu.memory_space<vmem>>, vector<1x4096xf32>
    tpu.vector_store %arg7[%swap3A_202, %swap3A_203], %convert_element_type3A_201 {strides = array<i32>} : memref<16x4096xf32, #tpu.memory_space<vmem>>, vector<1x4096xf32>,
    %sub3A_205 = arith.subi %get3A_194, %get3A_192 : i32
    %eq3A_206 = vector.broadcast %sub3A_205 : i32 to vector<1x513xi32>
    %eq3A_207 = arith.cmpi eq, %iota3A_0, %eq3A_206 : vector<1x513xi32>
    %convert_element_type3A_208 = arith.extui %eq3A_207 : vector<1x513xi1> to vector<1x513xi32>
    %convert_element_type3A_209 = arith.sitofp %convert_element_type3A_208 : vector<1x513xi32> to vector<1x513xf32>
    %swap3A_210 = arith.constant 9 : index
    %swap3A_211 = arith.constant 0 : index
    %swap3A_212 = vector.load %arg8[%swap3A_210, %swap3A_211] : memref<16x513xf32, #tpu.memory_space<vmem>>, vector<1x513xf32>
    tpu.vector_store %arg8[%swap3A_210, %swap3A_211], %convert_element_type3A_209 {strides = array<i32>} : memref<16x513xf32, #tpu.memory_space<vmem>>, vector<1x513xf32>,
    %get3A_213 = arith.constant 10 : index
    %get3A_214 = memref.load %arg0[%get3A_213] : memref<17xi32, #tpu.memory_space<smem>>
    %get3A_215 = arith.constant 11 : index
    %get3A_216 = memref.load %arg0[%get3A_215] : memref<17xi32, #tpu.memory_space<smem>>
    %ge3A_217 = vector.broadcast %get3A_214 : i32 to vector<1x4096xi32>
    %ge3A_218 = arith.cmpi sge, %iota3A, %ge3A_217 : vector<1x4096xi32>
    %lt3A_219 = vector.broadcast %get3A_216 : i32 to vector<1x4096xi32>
    %lt3A_220 = arith.cmpi slt, %iota3A, %lt3A_219 : vector<1x4096xi32>
    %and3A_221 = arith.andi %ge3A_218, %lt3A_220 : vector<1x4096xi1>
    %convert_element_type3A_222 = arith.extui %and3A_221 : vector<1x4096xi1> to vector<1x4096xi32>
    %convert_element_type3A_223 = arith.sitofp %convert_element_type3A_222 : vector<1x4096xi32> to vector<1x4096xf32>
    %swap3A_224 = arith.constant 10 : index
    %swap3A_225 = arith.constant 0 : index
    %swap3A_226 = vector.load %arg7[%swap3A_224, %swap3A_225] : memref<16x4096xf32, #tpu.memory_space<vmem>>, vector<1x4096xf32>
    tpu.vector_store %arg7[%swap3A_224, %swap3A_225], %convert_element_type3A_223 {strides = array<i32>} : memref<16x4096xf32, #tpu.memory_space<vmem>>, vector<1x4096xf32>,
    %sub3A_227 = arith.subi %get3A_216, %get3A_214 : i32
    %eq3A_228 = vector.broadcast %sub3A_227 : i32 to vector<1x513xi32>
    %eq3A_229 = arith.cmpi eq, %iota3A_0, %eq3A_228 : vector<1x513xi32>
    %convert_element_type3A_230 = arith.extui %eq3A_229 : vector<1x513xi1> to vector<1x513xi32>
    %convert_element_type3A_231 = arith.sitofp %convert_element_type3A_230 : vector<1x513xi32> to vector<1x513xf32>
    %swap3A_232 = arith.constant 10 : index
    %swap3A_233 = arith.constant 0 : index
    %swap3A_234 = vector.load %arg8[%swap3A_232, %swap3A_233] : memref<16x513xf32, #tpu.memory_space<vmem>>, vector<1x513xf32>
    tpu.vector_store %arg8[%swap3A_232, %swap3A_233], %convert_element_type3A_231 {strides = array<i32>} : memref<16x513xf32, #tpu.memory_space<vmem>>, vector<1x513xf32>,
    %get3A_235 = arith.constant 11 : index
    %get3A_236 = memref.load %arg0[%get3A_235] : memref<17xi32, #tpu.memory_space<smem>>
    %get3A_237 = arith.constant 12 : index
    %get3A_238 = memref.load %arg0[%get3A_237] : memref<17xi32, #tpu.memory_space<smem>>
    %ge3A_239 = vector.broadcast %get3A_236 : i32 to vector<1x4096xi32>
    %ge3A_240 = arith.cmpi sge, %iota3A, %ge3A_239 : vector<1x4096xi32>
    %lt3A_241 = vector.broadcast %get3A_238 : i32 to vector<1x4096xi32>
    %lt3A_242 = arith.cmpi slt, %iota3A, %lt3A_241 : vector<1x4096xi32>
    %and3A_243 = arith.andi %ge3A_240, %lt3A_242 : vector<1x4096xi1>
    %convert_element_type3A_244 = arith.extui %and3A_243 : vector<1x4096xi1> to vector<1x4096xi32>
    %convert_element_type3A_245 = arith.sitofp %convert_element_type3A_244 : vector<1x4096xi32> to vector<1x4096xf32>
    %swap3A_246 = arith.constant 11 : index
    %swap3A_247 = arith.constant 0 : index
    %swap3A_248 = vector.load %arg7[%swap3A_246, %swap3A_247] : memref<16x4096xf32, #tpu.memory_space<vmem>>, vector<1x4096xf32>
    tpu.vector_store %arg7[%swap3A_246, %swap3A_247], %convert_element_type3A_245 {strides = array<i32>} : memref<16x4096xf32, #tpu.memory_space<vmem>>, vector<1x4096xf32>,
    %sub3A_249 = arith.subi %get3A_238, %get3A_236 : i32
    %eq3A_250 = vector.broadcast %sub3A_249 : i32 to vector<1x513xi32>
    %eq3A_251 = arith.cmpi eq, %iota3A_0, %eq3A_250 : vector<1x513xi32>
    %convert_element_type3A_252 = arith.extui %eq3A_251 : vector<1x513xi1> to vector<1x513xi32>
    %convert_element_type3A_253 = arith.sitofp %convert_element_type3A_252 : vector<1x513xi32> to vector<1x513xf32>
    %swap3A_254 = arith.constant 11 : index
    %swap3A_255 = arith.constant 0 : index
    %swap3A_256 = vector.load %arg8[%swap3A_254, %swap3A_255] : memref<16x513xf32, #tpu.memory_space<vmem>>, vector<1x513xf32>
    tpu.vector_store %arg8[%swap3A_254, %swap3A_255], %convert_element_type3A_253 {strides = array<i32>} : memref<16x513xf32, #tpu.memory_space<vmem>>, vector<1x513xf32>,
    %get3A_257 = arith.constant 12 : index
    %get3A_258 = memref.load %arg0[%get3A_257] : memref<17xi32, #tpu.memory_space<smem>>
    %get3A_259 = arith.constant 13 : index
    %get3A_260 = memref.load %arg0[%get3A_259] : memref<17xi32, #tpu.memory_space<smem>>
    %ge3A_261 = vector.broadcast %get3A_258 : i32 to vector<1x4096xi32>
    %ge3A_262 = arith.cmpi sge, %iota3A, %ge3A_261 : vector<1x4096xi32>
    %lt3A_263 = vector.broadcast %get3A_260 : i32 to vector<1x4096xi32>
    %lt3A_264 = arith.cmpi slt, %iota3A, %lt3A_263 : vector<1x4096xi32>
    %and3A_265 = arith.andi %ge3A_262, %lt3A_264 : vector<1x4096xi1>
    %convert_element_type3A_266 = arith.extui %and3A_265 : vector<1x4096xi1> to vector<1x4096xi32>
    %convert_element_type3A_267 = arith.sitofp %convert_element_type3A_266 : vector<1x4096xi32> to vector<1x4096xf32>
    %swap3A_268 = arith.constant 12 : index
    %swap3A_269 = arith.constant 0 : index
    %swap3A_270 = vector.load %arg7[%swap3A_268, %swap3A_269] : memref<16x4096xf32, #tpu.memory_space<vmem>>, vector<1x4096xf32>
    tpu.vector_store %arg7[%swap3A_268, %swap3A_269], %convert_element_type3A_267 {strides = array<i32>} : memref<16x4096xf32, #tpu.memory_space<vmem>>, vector<1x4096xf32>,
    %sub3A_271 = arith.subi %get3A_260, %get3A_258 : i32
    %eq3A_272 = vector.broadcast %sub3A_271 : i32 to vector<1x513xi32>
    %eq3A_273 = arith.cmpi eq, %iota3A_0, %eq3A_272 : vector<1x513xi32>
    %convert_element_type3A_274 = arith.extui %eq3A_273 : vector<1x513xi1> to vector<1x513xi32>
    %convert_element_type3A_275 = arith.sitofp %convert_element_type3A_274 : vector<1x513xi32> to vector<1x513xf32>
    %swap3A_276 = arith.constant 12 : index
    %swap3A_277 = arith.constant 0 : index
    %swap3A_278 = vector.load %arg8[%swap3A_276, %swap3A_277] : memref<16x513xf32, #tpu.memory_space<vmem>>, vector<1x513xf32>
    tpu.vector_store %arg8[%swap3A_276, %swap3A_277], %convert_element_type3A_275 {strides = array<i32>} : memref<16x513xf32, #tpu.memory_space<vmem>>, vector<1x513xf32>,
    %get3A_279 = arith.constant 13 : index
    %get3A_280 = memref.load %arg0[%get3A_279] : memref<17xi32, #tpu.memory_space<smem>>
    %get3A_281 = arith.constant 14 : index
    %get3A_282 = memref.load %arg0[%get3A_281] : memref<17xi32, #tpu.memory_space<smem>>
    %ge3A_283 = vector.broadcast %get3A_280 : i32 to vector<1x4096xi32>
    %ge3A_284 = arith.cmpi sge, %iota3A, %ge3A_283 : vector<1x4096xi32>
    %lt3A_285 = vector.broadcast %get3A_282 : i32 to vector<1x4096xi32>
    %lt3A_286 = arith.cmpi slt, %iota3A, %lt3A_285 : vector<1x4096xi32>
    %and3A_287 = arith.andi %ge3A_284, %lt3A_286 : vector<1x4096xi1>
    %convert_element_type3A_288 = arith.extui %and3A_287 : vector<1x4096xi1> to vector<1x4096xi32>
    %convert_element_type3A_289 = arith.sitofp %convert_element_type3A_288 : vector<1x4096xi32> to vector<1x4096xf32>
    %swap3A_290 = arith.constant 13 : index
    %swap3A_291 = arith.constant 0 : index
    %swap3A_292 = vector.load %arg7[%swap3A_290, %swap3A_291] : memref<16x4096xf32, #tpu.memory_space<vmem>>, vector<1x4096xf32>
    tpu.vector_store %arg7[%swap3A_290, %swap3A_291], %convert_element_type3A_289 {strides = array<i32>} : memref<16x4096xf32, #tpu.memory_space<vmem>>, vector<1x4096xf32>,
    %sub3A_293 = arith.subi %get3A_282, %get3A_280 : i32
    %eq3A_294 = vector.broadcast %sub3A_293 : i32 to vector<1x513xi32>
    %eq3A_295 = arith.cmpi eq, %iota3A_0, %eq3A_294 : vector<1x513xi32>
    %convert_element_type3A_296 = arith.extui %eq3A_295 : vector<1x513xi1> to vector<1x513xi32>
    %convert_element_type3A_297 = arith.sitofp %convert_element_type3A_296 : vector<1x513xi32> to vector<1x513xf32>
    %swap3A_298 = arith.constant 13 : index
    %swap3A_299 = arith.constant 0 : index
    %swap3A_300 = vector.load %arg8[%swap3A_298, %swap3A_299] : memref<16x513xf32, #tpu.memory_space<vmem>>, vector<1x513xf32>
    tpu.vector_store %arg8[%swap3A_298, %swap3A_299], %convert_element_type3A_297 {strides = array<i32>} : memref<16x513xf32, #tpu.memory_space<vmem>>, vector<1x513xf32>,
    %get3A_301 = arith.constant 14 : index
    %get3A_302 = memref.load %arg0[%get3A_301] : memref<17xi32, #tpu.memory_space<smem>>
    %get3A_303 = arith.constant 15 : index
    %get3A_304 = memref.load %arg0[%get3A_303] : memref<17xi32, #tpu.memory_space<smem>>
    %ge3A_305 = vector.broadcast %get3A_302 : i32 to vector<1x4096xi32>
    %ge3A_306 = arith.cmpi sge, %iota3A, %ge3A_305 : vector<1x4096xi32>
    %lt3A_307 = vector.broadcast %get3A_304 : i32 to vector<1x4096xi32>
    %lt3A_308 = arith.cmpi slt, %iota3A, %lt3A_307 : vector<1x4096xi32>
    %and3A_309 = arith.andi %ge3A_306, %lt3A_308 : vector<1x4096xi1>
    %convert_element_type3A_310 = arith.extui %and3A_309 : vector<1x4096xi1> to vector<1x4096xi32>
    %convert_element_type3A_311 = arith.sitofp %convert_element_type3A_310 : vector<1x4096xi32> to vector<1x4096xf32>
    %swap3A_312 = arith.constant 14 : index
    %swap3A_313 = arith.constant 0 : index
    %swap3A_314 = vector.load %arg7[%swap3A_312, %swap3A_313] : memref<16x4096xf32, #tpu.memory_space<vmem>>, vector<1x4096xf32>
    tpu.vector_store %arg7[%swap3A_312, %swap3A_313], %convert_element_type3A_311 {strides = array<i32>} : memref<16x4096xf32, #tpu.memory_space<vmem>>, vector<1x4096xf32>,
    %sub3A_315 = arith.subi %get3A_304, %get3A_302 : i32
    %eq3A_316 = vector.broadcast %sub3A_315 : i32 to vector<1x513xi32>
    %eq3A_317 = arith.cmpi eq, %iota3A_0, %eq3A_316 : vector<1x513xi32>
    %convert_element_type3A_318 = arith.extui %eq3A_317 : vector<1x513xi1> to vector<1x513xi32>
    %convert_element_type3A_319 = arith.sitofp %convert_element_type3A_318 : vector<1x513xi32> to vector<1x513xf32>
    %swap3A_320 = arith.constant 14 : index
    %swap3A_321 = arith.constant 0 : index
    %swap3A_322 = vector.load %arg8[%swap3A_320, %swap3A_321] : memref<16x513xf32, #tpu.memory_space<vmem>>, vector<1x513xf32>
    tpu.vector_store %arg8[%swap3A_320, %swap3A_321], %convert_element_type3A_319 {strides = array<i32>} : memref<16x513xf32, #tpu.memory_space<vmem>>, vector<1x513xf32>,
    %get3A_323 = arith.constant 15 : index
    %get3A_324 = memref.load %arg0[%get3A_323] : memref<17xi32, #tpu.memory_space<smem>>
    %get3A_325 = arith.constant 16 : index
    %get3A_326 = memref.load %arg0[%get3A_325] : memref<17xi32, #tpu.memory_space<smem>>
    %ge3A_327 = vector.broadcast %get3A_324 : i32 to vector<1x4096xi32>
    %ge3A_328 = arith.cmpi sge, %iota3A, %ge3A_327 : vector<1x4096xi32>
    %lt3A_329 = vector.broadcast %get3A_326 : i32 to vector<1x4096xi32>
    %lt3A_330 = arith.cmpi slt, %iota3A, %lt3A_329 : vector<1x4096xi32>
    %and3A_331 = arith.andi %ge3A_328, %lt3A_330 : vector<1x4096xi1>
    %convert_element_type3A_332 = arith.extui %and3A_331 : vector<1x4096xi1> to vector<1x4096xi32>
    %convert_element_type3A_333 = arith.sitofp %convert_element_type3A_332 : vector<1x4096xi32> to vector<1x4096xf32>
    %swap3A_334 = arith.constant 15 : index
    %swap3A_335 = arith.constant 0 : index
    %swap3A_336 = vector.load %arg7[%swap3A_334, %swap3A_335] : memref<16x4096xf32, #tpu.memory_space<vmem>>, vector<1x4096xf32>
    tpu.vector_store %arg7[%swap3A_334, %swap3A_335], %convert_element_type3A_333 {strides = array<i32>} : memref<16x4096xf32, #tpu.memory_space<vmem>>, vector<1x4096xf32>,
    %sub3A_337 = arith.subi %get3A_326, %get3A_324 : i32
    %eq3A_338 = vector.broadcast %sub3A_337 : i32 to vector<1x513xi32>
    %eq3A_339 = arith.cmpi eq, %iota3A_0, %eq3A_338 : vector<1x513xi32>
    %convert_element_type3A_340 = arith.extui %eq3A_339 : vector<1x513xi1> to vector<1x513xi32>
    %convert_element_type3A_341 = arith.sitofp %convert_element_type3A_340 : vector<1x513xi32> to vector<1x513xf32>
    %swap3A_342 = arith.constant 15 : index
    %swap3A_343 = arith.constant 0 : index
    %swap3A_344 = vector.load %arg8[%swap3A_342, %swap3A_343] : memref<16x513xf32, #tpu.memory_space<vmem>>, vector<1x513xf32>
    tpu.vector_store %arg8[%swap3A_342, %swap3A_343], %convert_element_type3A_341 {strides = array<i32>} : memref<16x513xf32, #tpu.memory_space<vmem>>, vector<1x513xf32>,
    %iota3A_345 = tpu.iota {dimensions = array<i32: 0>} : vector<16x1xi32>
    %convert_element_type3A_346 = arith.sitofp %iota3A_345 : vector<16x1xi32> to vector<16x1xf32>
    %get3A_347 = arith.constant 0 : index
    %get3A_348 = arith.constant 0 : index
    %get3A_349 = vector.load %arg7[%get3A_347, %get3A_348] : memref<16x4096xf32, #tpu.memory_space<vmem>>, vector<16x4096xf32>
    %dot_general3A = arith.constant dense<0.000000e+00> : vector<4096x1xf32>
    %dot_general3A_350 = tpu.matmul %get3A_349, %convert_element_type3A_346, %dot_general3A {dimension_numbers = #tpu.dot_dimension_numbers<[0], [0], [1], [1], [0, 1, 1, 1], [], []>, transpose_lhs_hint = false} : vector<16x4096xf32>, vector<16x1xf32>, vector<4096x1xf32> -> vector<4096x1xf32>
    %swap3A_351 = arith.constant 0 : index
    %swap3A_352 = arith.constant 0 : index
    %swap3A_353 = vector.load %arg5[%swap3A_351, %swap3A_352] : memref<4096x1xf32, #tpu.memory_space<vmem>>, vector<4096x1xf32>
    tpu.vector_store %arg5[%swap3A_351, %swap3A_352], %dot_general3A_350 {strides = array<i32>} : memref<4096x1xf32, #tpu.memory_space<vmem>>, vector<4096x1xf32>,
    %broadcast_in_dim3A = arith.constant -1.000000e+00 : f32
    %broadcast_in_dim3A_354 = vector.broadcast %broadcast_in_dim3A : f32 to vector<1x5120xf32>
    %swap3A_355 = arith.constant 0 : index
    %swap3A_356 = arith.constant 0 : index
    %swap3A_357 = vector.load %arg6[%swap3A_355, %swap3A_356] : memref<1x5120xf32, #tpu.memory_space<vmem>>, vector<1x5120xf32>
    tpu.vector_store %arg6[%swap3A_355, %swap3A_356], %broadcast_in_dim3A_354 {strides = array<i32>} : memref<1x5120xf32, #tpu.memory_space<vmem>>, vector<1x5120xf32>,
    %get3A_358 = arith.constant 0 : index
    %get3A_359 = arith.constant 0 : index
    %get3A_360 = vector.load %arg7[%get3A_358, %get3A_359] : memref<16x4096xf32, #tpu.memory_space<vmem>>, vector<16x4096xf32>
    %dot_general3A_361 = arith.constant dense<0.000000e+00> : vector<1x4096xf32>
    %dot_general3A_362 = tpu.matmul %convert_element_type3A_346, %get3A_360, %dot_general3A_361 {dimension_numbers = #tpu.dot_dimension_numbers<[0], [0], [1], [1], [0, 1, 1, 1], [], []>, transpose_lhs_hint = false} : vector<16x1xf32>, vector<16x4096xf32>, vector<1x4096xf32> -> vector<1x4096xf32>
    %swap3A_363 = arith.constant 0 : index
    %swap3A_364 = arith.constant 512 : index
    %swap3A_365 = vector.load %arg6[%swap3A_363, %swap3A_364] : memref<1x5120xf32, #tpu.memory_space<vmem>>, vector<1x4096xf32>
    tpu.vector_store %arg6[%swap3A_363, %swap3A_364], %dot_general3A_362 {strides = array<i32>} : memref<1x5120xf32, #tpu.memory_space<vmem>>, vector<1x4096xf32>,
    %get3A_366 = arith.constant 0 : index
    %get3A_367 = arith.constant 0 : index
    %get3A_368 = vector.load %arg1[%get3A_366, %get3A_367] : memref<512x320xf32, #tpu.memory_space<vmem>>, vector<512x320xf32>
    %get3A_369 = arith.constant 0 : index
    %get3A_370 = arith.constant 0 : index
    %get3A_371 = vector.load %arg2[%get3A_369, %get3A_370] : memref<1x320xf32, #tpu.memory_space<vmem>>, vector<1x320xf32>
    %add3A = vector.broadcast %get3A_371 : vector<1x320xf32> to vector<512x320xf32>
    %add3A_372 = arith.addf %get3A_368, %add3A : vector<512x320xf32>
    %max3A = arith.constant 0.000000e+00 : f32
    %max3A_373 = vector.broadcast %max3A : f32 to vector<512x320xf32>
    %max3A_374 = arith.maximumf %add3A_372, %max3A_373 : vector<512x320xf32>
    %get3A_375 = arith.constant 0 : index
    %get3A_376 = arith.constant 0 : index
    %get3A_377 = vector.load %arg3[%get3A_375, %get3A_376] : memref<320x128xf32, #tpu.memory_space<vmem>>, vector<320x128xf32>
    %dot_general3A_378 = arith.constant dense<0.000000e+00> : vector<512x128xf32>
    %dot_general3A_379 = tpu.matmul %max3A_374, %get3A_377, %dot_general3A_378 {dimension_numbers = #tpu.dot_dimension_numbers<[1], [0], [0], [1], [0, 0, 1, 1], [], []>, transpose_lhs_hint = false} : vector<512x320xf32>, vector<320x128xf32>, vector<512x128xf32> -> vector<512x128xf32>
    %get3A_380 = arith.constant 0 : index
    %get3A_381 = arith.constant 0 : index
    %get3A_382 = vector.load %arg4[%get3A_380, %get3A_381] : memref<1x128xf32, #tpu.memory_space<vmem>>, vector<1x128xf32>
    %add3A_383 = vector.broadcast %get3A_382 : vector<1x128xf32> to vector<512x128xf32>
    %add3A_384 = arith.addf %dot_general3A_379, %add3A_383 : vector<512x128xf32>
    %swap3A_385 = arith.constant 0 : index
    %swap3A_386 = arith.constant 0 : index
    %swap3A_387 = vector.load %arg9[%swap3A_385, %swap3A_386] : memref<512x128xf32, #tpu.memory_space<vmem>>, vector<512x128xf32>
    tpu.vector_store %arg9[%swap3A_385, %swap3A_386], %add3A_384 {strides = array<i32>} : memref<512x128xf32, #tpu.memory_space<vmem>>, vector<512x128xf32>,
    return
  }
}

module attributes {stable_mosaic.version = 14 : i64} {
  func.func @_rank_kernel(%arg0: i32, %arg1: memref<512x1xf32, #tpu.memory_space<vmem>>, %arg2: memref<512x1xf32, #tpu.memory_space<vmem>>, %arg3: memref<1x5120xf32, #tpu.memory_space<vmem>>, %arg4: memref<1x5120xf32, #tpu.memory_space<vmem>>, %arg5: memref<512x1xi32, #tpu.memory_space<vmem>>) attributes {dimension_semantics = [#tpu.dimension_semantics<arbitrary>], iteration_bounds = array<i64: 8>, scalar_prefetch = 0 : i64, scratch_operands = 0 : i64, tpu.core_type = #tpu.core_type<tc>, window_params = [{transform_indices = @transform_0, window_bounds = array<i64: 512, 1>}, {transform_indices = @transform_1, window_bounds = array<i64: 512, 1>}, {pipeline_mode = #tpu.pipeline_mode<synchronous>, transform_indices = @transform_2, window_bounds = array<i64: 1, 5120>}, {pipeline_mode = #tpu.pipeline_mode<synchronous>, transform_indices = @transform_3, window_bounds = array<i64: 1, 5120>}, {transform_indices = @transform_4, window_bounds = array<i64: 512, 1>}]} {
    %get3A = arith.constant 0 : index
    %get3A_0 = arith.constant 0 : index
    %get3A_1 = vector.load %arg1[%get3A, %get3A_0] : memref<512x1xf32, #tpu.memory_space<vmem>>, vector<512x1xf32>
    %get3A_2 = arith.constant 0 : index
    %get3A_3 = arith.constant 0 : index
    %get3A_4 = vector.load %arg2[%get3A_2, %get3A_3] : memref<512x1xf32, #tpu.memory_space<vmem>>, vector<512x1xf32>
    %iota3A = tpu.iota {dimensions = array<i32: 1>} : vector<512x512xi32>
    %iota3A_5 = tpu.iota {dimensions = array<i32: 0>} : vector<512x512xi32>
    %lt3A = arith.cmpi slt, %iota3A, %iota3A_5 : vector<512x512xi32>
    %broadcast_in_dim3A = arith.constant 1.000000e+00 : bf16
    %broadcast_in_dim3A_6 = vector.broadcast %broadcast_in_dim3A : bf16 to vector<512x1xbf16>
    %broadcast_in_dim3A_7 = arith.constant 0.000000e+00 : f32
    %broadcast_in_dim3A_8 = vector.broadcast %broadcast_in_dim3A_7 : f32 to vector<512x1xf32>
    %add3A = arith.constant 0 : i32
    %add3A_9 = arith.addi %arg0, %add3A : i32
    %mul3A = arith.constant 512 : i32
    %mul3A_10 = arith.muli %add3A_9, %mul3A : i32
    %get3A_11 = arith.constant 0 : index
    %get3A_12 = arith.index_cast %mul3A_10 : i32 to index
    %get3A_13 = vector.load %arg3[%get3A_11, %get3A_12] : memref<1x5120xf32, #tpu.memory_space<vmem>>, vector<1x512xf32>
    %get3A_14 = arith.constant 0 : index
    %get3A_15 = arith.index_cast %mul3A_10 : i32 to index
    %get3A_16 = vector.load %arg4[%get3A_14, %get3A_15] : memref<1x5120xf32, #tpu.memory_space<vmem>>, vector<1x512xf32>
    %lt3A_17 = vector.broadcast %get3A_13 : vector<1x512xf32> to vector<512x512xf32>
    %lt3A_18 = vector.broadcast %get3A_1 : vector<512x1xf32> to vector<512x512xf32>
    %lt3A_19 = arith.cmpf olt, %lt3A_17, %lt3A_18 : vector<512x512xf32>
    %eq3A = vector.broadcast %get3A_13 : vector<1x512xf32> to vector<512x512xf32>
    %eq3A_20 = vector.broadcast %get3A_1 : vector<512x1xf32> to vector<512x512xf32>
    %eq3A_21 = arith.cmpf oeq, %eq3A, %eq3A_20 : vector<512x512xf32>
    %or3A = arith.ori %lt3A_19, %eq3A_21 : vector<512x512xi1>
    %eq3A_22 = vector.broadcast %get3A_16 : vector<1x512xf32> to vector<512x512xf32>
    %eq3A_23 = vector.broadcast %get3A_4 : vector<512x1xf32> to vector<512x512xf32>
    %eq3A_24 = arith.cmpf oeq, %eq3A_22, %eq3A_23 : vector<512x512xf32>
    %and3A = arith.andi %or3A, %eq3A_24 : vector<512x512xi1>
    %convert_element_type3A = arith.extui %and3A : vector<512x512xi1> to vector<512x512xi32>
    %convert_element_type3A_25 = arith.sitofp %convert_element_type3A : vector<512x512xi32> to vector<512x512xf32>
    %convert_element_type3A_26 = arith.truncf %convert_element_type3A_25 : vector<512x512xf32> to vector<512x512xbf16>
    %dot_general3A = arith.constant dense<0.000000e+00> : vector<512x1xf32>
    %dot_general3A_27 = tpu.matmul %convert_element_type3A_26, %broadcast_in_dim3A_6, %dot_general3A {dimension_numbers = #tpu.dot_dimension_numbers<[1], [0], [0], [1], [0, 0, 1, 1], [], []>, transpose_lhs_hint = false} : vector<512x512xbf16>, vector<512x1xbf16>, vector<512x1xf32> -> vector<512x1xf32>
    %add3A_28 = arith.addf %broadcast_in_dim3A_8, %dot_general3A_27 : vector<512x1xf32>
    %add3A_29 = arith.constant 1 : i32
    %add3A_30 = arith.addi %arg0, %add3A_29 : i32
    %mul3A_31 = arith.constant 512 : i32
    %mul3A_32 = arith.muli %add3A_30, %mul3A_31 : i32
    %get3A_33 = arith.constant 0 : index
    %get3A_34 = arith.index_cast %mul3A_32 : i32 to index
    %get3A_35 = vector.load %arg3[%get3A_33, %get3A_34] : memref<1x5120xf32, #tpu.memory_space<vmem>>, vector<1x512xf32>
    %get3A_36 = arith.constant 0 : index
    %get3A_37 = arith.index_cast %mul3A_32 : i32 to index
    %get3A_38 = vector.load %arg4[%get3A_36, %get3A_37] : memref<1x5120xf32, #tpu.memory_space<vmem>>, vector<1x512xf32>
    %lt3A_39 = vector.broadcast %get3A_35 : vector<1x512xf32> to vector<512x512xf32>
    %lt3A_40 = vector.broadcast %get3A_1 : vector<512x1xf32> to vector<512x512xf32>
    %lt3A_41 = arith.cmpf olt, %lt3A_39, %lt3A_40 : vector<512x512xf32>
    %eq3A_42 = vector.broadcast %get3A_35 : vector<1x512xf32> to vector<512x512xf32>
    %eq3A_43 = vector.broadcast %get3A_1 : vector<512x1xf32> to vector<512x512xf32>
    %eq3A_44 = arith.cmpf oeq, %eq3A_42, %eq3A_43 : vector<512x512xf32>
    %and3A_45 = arith.andi %eq3A_44, %lt3A : vector<512x512xi1>
    %or3A_46 = arith.ori %lt3A_41, %and3A_45 : vector<512x512xi1>
    %eq3A_47 = vector.broadcast %get3A_38 : vector<1x512xf32> to vector<512x512xf32>
    %eq3A_48 = vector.broadcast %get3A_4 : vector<512x1xf32> to vector<512x512xf32>
    %eq3A_49 = arith.cmpf oeq, %eq3A_47, %eq3A_48 : vector<512x512xf32>
    %and3A_50 = arith.andi %or3A_46, %eq3A_49 : vector<512x512xi1>
    %convert_element_type3A_51 = arith.extui %and3A_50 : vector<512x512xi1> to vector<512x512xi32>
    %convert_element_type3A_52 = arith.sitofp %convert_element_type3A_51 : vector<512x512xi32> to vector<512x512xf32>
    %convert_element_type3A_53 = arith.truncf %convert_element_type3A_52 : vector<512x512xf32> to vector<512x512xbf16>
    %dot_general3A_54 = arith.constant dense<0.000000e+00> : vector<512x1xf32>
    %dot_general3A_55 = tpu.matmul %convert_element_type3A_53, %broadcast_in_dim3A_6, %dot_general3A_54 {dimension_numbers = #tpu.dot_dimension_numbers<[1], [0], [0], [1], [0, 0, 1, 1], [], []>, transpose_lhs_hint = false} : vector<512x512xbf16>, vector<512x1xbf16>, vector<512x1xf32> -> vector<512x1xf32>
    %add3A_56 = arith.addf %add3A_28, %dot_general3A_55 : vector<512x1xf32>
    %add3A_57 = arith.constant 2 : i32
    %add3A_58 = arith.addi %arg0, %add3A_57 : i32
    %mul3A_59 = arith.constant 512 : i32
    %mul3A_60 = arith.muli %add3A_58, %mul3A_59 : i32
    %get3A_61 = arith.constant 0 : index
    %get3A_62 = arith.index_cast %mul3A_60 : i32 to index
    %get3A_63 = vector.load %arg3[%get3A_61, %get3A_62] : memref<1x5120xf32, #tpu.memory_space<vmem>>, vector<1x512xf32>
    %get3A_64 = arith.constant 0 : index
    %get3A_65 = arith.index_cast %mul3A_60 : i32 to index
    %get3A_66 = vector.load %arg4[%get3A_64, %get3A_65] : memref<1x5120xf32, #tpu.memory_space<vmem>>, vector<1x512xf32>
    %lt3A_67 = vector.broadcast %get3A_63 : vector<1x512xf32> to vector<512x512xf32>
    %lt3A_68 = vector.broadcast %get3A_1 : vector<512x1xf32> to vector<512x512xf32>
    %lt3A_69 = arith.cmpf olt, %lt3A_67, %lt3A_68 : vector<512x512xf32>
    %eq3A_70 = vector.broadcast %get3A_66 : vector<1x512xf32> to vector<512x512xf32>
    %eq3A_71 = vector.broadcast %get3A_4 : vector<512x1xf32> to vector<512x512xf32>
    %eq3A_72 = arith.cmpf oeq, %eq3A_70, %eq3A_71 : vector<512x512xf32>
    %and3A_73 = arith.andi %lt3A_69, %eq3A_72 : vector<512x512xi1>
    %convert_element_type3A_74 = arith.extui %and3A_73 : vector<512x512xi1> to vector<512x512xi32>
    %convert_element_type3A_75 = arith.sitofp %convert_element_type3A_74 : vector<512x512xi32> to vector<512x512xf32>
    %convert_element_type3A_76 = arith.truncf %convert_element_type3A_75 : vector<512x512xf32> to vector<512x512xbf16>
    %dot_general3A_77 = arith.constant dense<0.000000e+00> : vector<512x1xf32>
    %dot_general3A_78 = tpu.matmul %convert_element_type3A_76, %broadcast_in_dim3A_6, %dot_general3A_77 {dimension_numbers = #tpu.dot_dimension_numbers<[1], [0], [0], [1], [0, 0, 1, 1], [], []>, transpose_lhs_hint = false} : vector<512x512xbf16>, vector<512x1xbf16>, vector<512x1xf32> -> vector<512x1xf32>
    %add3A_79 = arith.addf %add3A_56, %dot_general3A_78 : vector<512x1xf32>
    %convert_element_type3A_80 = arith.fptosi %add3A_79 : vector<512x1xf32> to vector<512x1xi32>
    %swap3A = arith.constant 0 : index
    %swap3A_81 = arith.constant 0 : index
    %swap3A_82 = vector.load %arg5[%swap3A, %swap3A_81] : memref<512x1xi32, #tpu.memory_space<vmem>>, vector<512x1xi32>
    tpu.vector_store %arg5[%swap3A, %swap3A_81], %convert_element_type3A_80 {strides = array<i32>} : memref<512x1xi32, #tpu.memory_space<vmem>>, vector<512x1xi32>,
    return
  }
  func.func @transform_0(%arg0: i32) -> (i32, i32) {
    %c0_i32 = arith.constant 0 : i32
    %c0_i32_0 = arith.constant 0 : i32
    return %arg0, %c0_i32 : i32, i32
  }
  func.func @transform_1(%arg0: i32) -> (i32, i32) {
    %c0_i32 = arith.constant 0 : i32
    %c0_i32_0 = arith.constant 0 : i32
    return %arg0, %c0_i32 : i32, i32
  }
  func.func @transform_2(%arg0: i32) -> (i32, i32) {
    %c0_i32 = arith.constant 0 : i32
    %c0_i32_0 = arith.constant 0 : i32
    %c0_i32_1 = arith.constant 0 : i32
    return %c0_i32, %c0_i32_0 : i32, i32
  }
  func.func @transform_3(%arg0: i32) -> (i32, i32) {
    %c0_i32 = arith.constant 0 : i32
    %c0_i32_0 = arith.constant 0 : i32
    %c0_i32_1 = arith.constant 0 : i32
    return %c0_i32, %c0_i32_0 : i32, i32
  }
  func.func @transform_4(%arg0: i32) -> (i32, i32) {
    %c0_i32 = arith.constant 0 : i32
    %c0_i32_0 = arith.constant 0 : i32
    return %arg0, %c0_i32 : i32, i32
  }
}

module attributes {stable_mosaic.version = 14 : i64} {
  func.func @_vds_kernel(%arg0: i32, %arg1: memref<512x128xf32, #tpu.memory_space<vmem>>, %arg2: memref<128x128xf32, #tpu.memory_space<vmem>>, %arg3: memref<1x128xf32, #tpu.memory_space<vmem>>, %arg4: memref<128x128xf32, #tpu.memory_space<vmem>>, %arg5: memref<1x128xf32, #tpu.memory_space<vmem>>, %arg6: memref<512x128xf32, #tpu.memory_space<vmem>>) attributes {dimension_semantics = [#tpu.dimension_semantics<arbitrary>], iteration_bounds = array<i64: 8>, scalar_prefetch = 0 : i64, scratch_operands = 0 : i64, tpu.core_type = #tpu.core_type<tc>, window_params = [{transform_indices = @transform_0, window_bounds = array<i64: 512, 128>}, {pipeline_mode = #tpu.pipeline_mode<synchronous>, transform_indices = @transform_1, window_bounds = array<i64: 128, 128>}, {pipeline_mode = #tpu.pipeline_mode<synchronous>, transform_indices = @transform_2, window_bounds = array<i64: 1, 128>}, {pipeline_mode = #tpu.pipeline_mode<synchronous>, transform_indices = @transform_3, window_bounds = array<i64: 128, 128>}, {pipeline_mode = #tpu.pipeline_mode<synchronous>, transform_indices = @transform_4, window_bounds = array<i64: 1, 128>}, {transform_indices = @transform_5, window_bounds = array<i64: 512, 128>}]} {
    %get3A = arith.constant 0 : index
    %get3A_0 = arith.constant 0 : index
    %get3A_1 = vector.load %arg1[%get3A, %get3A_0] : memref<512x128xf32, #tpu.memory_space<vmem>>, vector<512x128xf32>
    %get3A_2 = arith.constant 0 : index
    %get3A_3 = arith.constant 0 : index
    %get3A_4 = vector.load %arg2[%get3A_2, %get3A_3] : memref<128x128xf32, #tpu.memory_space<vmem>>, vector<128x128xf32>
    %dot_general3A = arith.constant dense<0.000000e+00> : vector<512x128xf32>
    %dot_general3A_5 = tpu.matmul %get3A_1, %get3A_4, %dot_general3A {dimension_numbers = #tpu.dot_dimension_numbers<[1], [0], [0], [1], [0, 0, 1, 1], [], []>, transpose_lhs_hint = false} : vector<512x128xf32>, vector<128x128xf32>, vector<512x128xf32> -> vector<512x128xf32>
    %get3A_6 = arith.constant 0 : index
    %get3A_7 = arith.constant 0 : index
    %get3A_8 = vector.load %arg3[%get3A_6, %get3A_7] : memref<1x128xf32, #tpu.memory_space<vmem>>, vector<1x128xf32>
    %add3A = vector.broadcast %get3A_8 : vector<1x128xf32> to vector<512x128xf32>
    %add3A_9 = arith.addf %dot_general3A_5, %add3A : vector<512x128xf32>
    %max3A = arith.constant 0.000000e+00 : f32
    %max3A_10 = vector.broadcast %max3A : f32 to vector<512x128xf32>
    %max3A_11 = arith.maximumf %add3A_9, %max3A_10 : vector<512x128xf32>
    %get3A_12 = arith.constant 0 : index
    %get3A_13 = arith.constant 0 : index
    %get3A_14 = vector.load %arg4[%get3A_12, %get3A_13] : memref<128x128xf32, #tpu.memory_space<vmem>>, vector<128x128xf32>
    %dot_general3A_15 = arith.constant dense<0.000000e+00> : vector<512x128xf32>
    %dot_general3A_16 = tpu.matmul %max3A_11, %get3A_14, %dot_general3A_15 {dimension_numbers = #tpu.dot_dimension_numbers<[1], [0], [0], [1], [0, 0, 1, 1], [], []>, transpose_lhs_hint = false} : vector<512x128xf32>, vector<128x128xf32>, vector<512x128xf32> -> vector<512x128xf32>
    %get3A_17 = arith.constant 0 : index
    %get3A_18 = arith.constant 0 : index
    %get3A_19 = vector.load %arg5[%get3A_17, %get3A_18] : memref<1x128xf32, #tpu.memory_space<vmem>>, vector<1x128xf32>
    %add3A_20 = vector.broadcast %get3A_19 : vector<1x128xf32> to vector<512x128xf32>
    %add3A_21 = arith.addf %dot_general3A_16, %add3A_20 : vector<512x128xf32>
    %swap3A = arith.constant 0 : index
    %swap3A_22 = arith.constant 0 : index
    %swap3A_23 = vector.load %arg6[%swap3A, %swap3A_22] : memref<512x128xf32, #tpu.memory_space<vmem>>, vector<512x128xf32>
    tpu.vector_store %arg6[%swap3A, %swap3A_22], %add3A_21 {strides = array<i32>} : memref<512x128xf32, #tpu.memory_space<vmem>>, vector<512x128xf32>,
    return
  }
  func.func @transform_0(%arg0: i32) -> (i32, i32) {
    %c0_i32 = arith.constant 0 : i32
    %c0_i32_0 = arith.constant 0 : i32
    return %arg0, %c0_i32 : i32, i32
  }
  func.func @transform_1(%arg0: i32) -> (i32, i32) {
    %c0_i32 = arith.constant 0 : i32
    %c0_i32_0 = arith.constant 0 : i32
    %c0_i32_1 = arith.constant 0 : i32
    return %c0_i32, %c0_i32_0 : i32, i32
  }
  func.func @transform_2(%arg0: i32) -> (i32, i32) {
    %c0_i32 = arith.constant 0 : i32
    %c0_i32_0 = arith.constant 0 : i32
    %c0_i32_1 = arith.constant 0 : i32
    return %c0_i32, %c0_i32_0 : i32, i32
  }
  func.func @transform_3(%arg0: i32) -> (i32, i32) {
    %c0_i32 = arith.constant 0 : i32
    %c0_i32_0 = arith.constant 0 : i32
    %c0_i32_1 = arith.constant 0 : i32
    return %c0_i32, %c0_i32_0 : i32, i32
  }
  func.func @transform_4(%arg0: i32) -> (i32, i32) {
    %c0_i32 = arith.constant 0 : i32
    %c0_i32_0 = arith.constant 0 : i32
    %c0_i32_1 = arith.constant 0 : i32
    return %c0_i32, %c0_i32_0 : i32, i32
  }
  func.func @transform_5(%arg0: i32) -> (i32, i32) {
    %c0_i32 = arith.constant 0 : i32
    %c0_i32_0 = arith.constant 0 : i32
    return %arg0, %c0_i32 : i32, i32
  }
}

module attributes {stable_mosaic.version = 14 : i64} {
  func.func @_ds_kernel(%arg0: i32, %arg1: memref<512x128xf32, #tpu.memory_space<vmem>>, %arg2: memref<512x128xf32, #tpu.memory_space<vmem>>, %arg3: memref<16x512xf32, #tpu.memory_space<vmem>>, %arg4: memref<128x128xf32, #tpu.memory_space<vmem>>, %arg5: memref<1x128xf32, #tpu.memory_space<vmem>>, %arg6: memref<128x128xf32, #tpu.memory_space<vmem>>, %arg7: memref<1x128xf32, #tpu.memory_space<vmem>>, %arg8: memref<128x352xf32, #tpu.memory_space<vmem>>, %arg9: memref<16x128xf32, #tpu.memory_space<vmem>>, %arg10: memref<16x352xf32, #tpu.memory_space<vmem>>, %arg11: memref<16x128xf32, #tpu.memory_space<vmem>>) attributes {dimension_semantics = [#tpu.dimension_semantics<arbitrary>], iteration_bounds = array<i64: 8>, scalar_prefetch = 0 : i64, scratch_operands = 1 : i64, tpu.core_type = #tpu.core_type<tc>, window_params = [{transform_indices = @transform_0, window_bounds = array<i64: 512, 128>}, {transform_indices = @transform_1, window_bounds = array<i64: 512, 128>}, {transform_indices = @transform_2, window_bounds = array<i64: 16, 512>}, {pipeline_mode = #tpu.pipeline_mode<synchronous>, transform_indices = @transform_3, window_bounds = array<i64: 128, 128>}, {pipeline_mode = #tpu.pipeline_mode<synchronous>, transform_indices = @transform_4, window_bounds = array<i64: 1, 128>}, {pipeline_mode = #tpu.pipeline_mode<synchronous>, transform_indices = @transform_5, window_bounds = array<i64: 128, 128>}, {pipeline_mode = #tpu.pipeline_mode<synchronous>, transform_indices = @transform_6, window_bounds = array<i64: 1, 128>}, {pipeline_mode = #tpu.pipeline_mode<synchronous>, transform_indices = @transform_7, window_bounds = array<i64: 128, 352>}, {pipeline_mode = #tpu.pipeline_mode<synchronous>, transform_indices = @transform_8, window_bounds = array<i64: 16, 128>}, {pipeline_mode = #tpu.pipeline_mode<synchronous>, transform_indices = @transform_9, window_bounds = array<i64: 16, 352>}]} {
    %eq3A = arith.constant 0 : i32
    %eq3A_0 = arith.cmpi eq, %arg0, %eq3A : i32
    %convert_element_type3A = arith.extui %eq3A_0 : i1 to i32
    %cond3A = arith.constant 0 : i32
    %cond3A_1 = arith.cmpi ne, %convert_element_type3A, %cond3A : i32
    scf.if %cond3A_1 {
      %broadcast_in_dim3A = arith.constant 0.000000e+00 : f32
      %broadcast_in_dim3A_21 = vector.broadcast %broadcast_in_dim3A : f32 to vector<16x128xf32>
      %swap3A_22 = arith.constant 0 : index
      %swap3A_23 = arith.constant 0 : index
      %swap3A_24 = vector.load %arg11[%swap3A_22, %swap3A_23] : memref<16x128xf32, #tpu.memory_space<vmem>>, vector<16x128xf32>
      tpu.vector_store %arg11[%swap3A_22, %swap3A_23], %broadcast_in_dim3A_21 {strides = array<i32>} : memref<16x128xf32, #tpu.memory_space<vmem>>, vector<16x128xf32>,
    } else {
    }
    %get3A = arith.constant 0 : index
    %get3A_2 = arith.constant 0 : index
    %get3A_3 = vector.load %arg11[%get3A, %get3A_2] : memref<16x128xf32, #tpu.memory_space<vmem>>, vector<16x128xf32>
    %get3A_4 = arith.constant 0 : index
    %get3A_5 = arith.constant 0 : index
    %get3A_6 = vector.load %arg3[%get3A_4, %get3A_5] : memref<16x512xf32, #tpu.memory_space<vmem>>, vector<16x512xf32>
    %get3A_7 = arith.constant 0 : index
    %get3A_8 = arith.constant 0 : index
    %get3A_9 = vector.load %arg1[%get3A_7, %get3A_8] : memref<512x128xf32, #tpu.memory_space<vmem>>, vector<512x128xf32>
    %get3A_10 = arith.constant 0 : index
    %get3A_11 = arith.constant 0 : index
    %get3A_12 = vector.load %arg2[%get3A_10, %get3A_11] : memref<512x128xf32, #tpu.memory_space<vmem>>, vector<512x128xf32>
    %mul3A = arith.mulf %get3A_9, %get3A_12 : vector<512x128xf32>
    %dot_general3A = arith.constant dense<0.000000e+00> : vector<16x128xf32>
    %dot_general3A_13 = tpu.matmul %get3A_6, %mul3A, %dot_general3A {dimension_numbers = #tpu.dot_dimension_numbers<[1], [0], [0], [1], [0, 0, 1, 1], [], []>, transpose_lhs_hint = false} : vector<16x512xf32>, vector<512x128xf32>, vector<16x128xf32> -> vector<16x128xf32>
    %add3A = arith.addf %get3A_3, %dot_general3A_13 : vector<16x128xf32>
    %swap3A = arith.constant 0 : index
    %swap3A_14 = arith.constant 0 : index
    %swap3A_15 = vector.load %arg11[%swap3A, %swap3A_14] : memref<16x128xf32, #tpu.memory_space<vmem>>, vector<16x128xf32>
    tpu.vector_store %arg11[%swap3A, %swap3A_14], %add3A {strides = array<i32>} : memref<16x128xf32, #tpu.memory_space<vmem>>, vector<16x128xf32>,
    %eq3A_16 = arith.constant 7 : i32
    %eq3A_17 = arith.cmpi eq, %arg0, %eq3A_16 : i32
    %convert_element_type3A_18 = arith.extui %eq3A_17 : i1 to i32
    %cond3A_19 = arith.constant 0 : i32
    %cond3A_20 = arith.cmpi ne, %convert_element_type3A_18, %cond3A_19 : i32
    scf.if %cond3A_20 {
      %get3A_21 = arith.constant 0 : index
      %get3A_22 = arith.constant 0 : index
      %get3A_23 = vector.load %arg11[%get3A_21, %get3A_22] : memref<16x128xf32, #tpu.memory_space<vmem>>, vector<16x128xf32>
      %get3A_24 = arith.constant 0 : index
      %get3A_25 = arith.constant 0 : index
      %get3A_26 = vector.load %arg4[%get3A_24, %get3A_25] : memref<128x128xf32, #tpu.memory_space<vmem>>, vector<128x128xf32>
      %dot_general3A_27 = arith.constant dense<0.000000e+00> : vector<16x128xf32>
      %dot_general3A_28 = tpu.matmul %get3A_23, %get3A_26, %dot_general3A_27 {dimension_numbers = #tpu.dot_dimension_numbers<[1], [0], [0], [1], [0, 0, 1, 1], [], []>, transpose_lhs_hint = false} : vector<16x128xf32>, vector<128x128xf32>, vector<16x128xf32> -> vector<16x128xf32>
      %get3A_29 = arith.constant 0 : index
      %get3A_30 = arith.constant 0 : index
      %get3A_31 = vector.load %arg5[%get3A_29, %get3A_30] : memref<1x128xf32, #tpu.memory_space<vmem>>, vector<1x128xf32>
      %add3A_32 = vector.broadcast %get3A_31 : vector<1x128xf32> to vector<16x128xf32>
      %add3A_33 = arith.addf %dot_general3A_28, %add3A_32 : vector<16x128xf32>
      %max3A = arith.constant 0.000000e+00 : f32
      %max3A_34 = vector.broadcast %max3A : f32 to vector<16x128xf32>
      %max3A_35 = arith.maximumf %add3A_33, %max3A_34 : vector<16x128xf32>
      %get3A_36 = arith.constant 0 : index
      %get3A_37 = arith.constant 0 : index
      %get3A_38 = vector.load %arg6[%get3A_36, %get3A_37] : memref<128x128xf32, #tpu.memory_space<vmem>>, vector<128x128xf32>
      %dot_general3A_39 = arith.constant dense<0.000000e+00> : vector<16x128xf32>
      %dot_general3A_40 = tpu.matmul %max3A_35, %get3A_38, %dot_general3A_39 {dimension_numbers = #tpu.dot_dimension_numbers<[1], [0], [0], [1], [0, 0, 1, 1], [], []>, transpose_lhs_hint = false} : vector<16x128xf32>, vector<128x128xf32>, vector<16x128xf32> -> vector<16x128xf32>
      %get3A_41 = arith.constant 0 : index
      %get3A_42 = arith.constant 0 : index
      %get3A_43 = vector.load %arg7[%get3A_41, %get3A_42] : memref<1x128xf32, #tpu.memory_space<vmem>>, vector<1x128xf32>
      %add3A_44 = vector.broadcast %get3A_43 : vector<1x128xf32> to vector<16x128xf32>
      %add3A_45 = arith.addf %dot_general3A_40, %add3A_44 : vector<16x128xf32>
      %swap3A_46 = arith.constant 0 : index
      %swap3A_47 = arith.constant 0 : index
      %swap3A_48 = vector.load %arg9[%swap3A_46, %swap3A_47] : memref<16x128xf32, #tpu.memory_space<vmem>>, vector<16x128xf32>
      tpu.vector_store %arg9[%swap3A_46, %swap3A_47], %add3A_45 {strides = array<i32>} : memref<16x128xf32, #tpu.memory_space<vmem>>, vector<16x128xf32>,
      %get3A_49 = arith.constant 0 : index
      %get3A_50 = arith.constant 0 : index
      %get3A_51 = vector.load %arg8[%get3A_49, %get3A_50] : memref<128x352xf32, #tpu.memory_space<vmem>>, vector<128x352xf32>
      %dot_general3A_52 = arith.constant dense<0.000000e+00> : vector<16x352xf32>
      %dot_general3A_53 = tpu.matmul %add3A_45, %get3A_51, %dot_general3A_52 {dimension_numbers = #tpu.dot_dimension_numbers<[1], [0], [0], [1], [0, 0, 1, 1], [], []>, transpose_lhs_hint = false} : vector<16x128xf32>, vector<128x352xf32>, vector<16x352xf32> -> vector<16x352xf32>
      %swap3A_54 = arith.constant 0 : index
      %swap3A_55 = arith.constant 0 : index
      %swap3A_56 = vector.load %arg10[%swap3A_54, %swap3A_55] : memref<16x352xf32, #tpu.memory_space<vmem>>, vector<16x352xf32>
      tpu.vector_store %arg10[%swap3A_54, %swap3A_55], %dot_general3A_53 {strides = array<i32>} : memref<16x352xf32, #tpu.memory_space<vmem>>, vector<16x352xf32>,
    } else {
    }
    return
  }
  func.func @transform_0(%arg0: i32) -> (i32, i32) {
    %c0_i32 = arith.constant 0 : i32
    %c0_i32_0 = arith.constant 0 : i32
    return %arg0, %c0_i32 : i32, i32
  }
  func.func @transform_1(%arg0: i32) -> (i32, i32) {
    %c0_i32 = arith.constant 0 : i32
    %c0_i32_0 = arith.constant 0 : i32
    return %arg0, %c0_i32 : i32, i32
  }
  func.func @transform_2(%arg0: i32) -> (i32, i32) {
    %c0_i32 = arith.constant 0 : i32
    %c0_i32_0 = arith.constant 0 : i32
    return %c0_i32, %arg0 : i32, i32
  }
  func.func @transform_3(%arg0: i32) -> (i32, i32) {
    %c0_i32 = arith.constant 0 : i32
    %c0_i32_0 = arith.constant 0 : i32
    %c0_i32_1 = arith.constant 0 : i32
    return %c0_i32, %c0_i32_0 : i32, i32
  }
  func.func @transform_4(%arg0: i32) -> (i32, i32) {
    %c0_i32 = arith.constant 0 : i32
    %c0_i32_0 = arith.constant 0 : i32
    %c0_i32_1 = arith.constant 0 : i32
    return %c0_i32, %c0_i32_0 : i32, i32
  }
  func.func @transform_5(%arg0: i32) -> (i32, i32) {
    %c0_i32 = arith.constant 0 : i32
    %c0_i32_0 = arith.constant 0 : i32
    %c0_i32_1 = arith.constant 0 : i32
    return %c0_i32, %c0_i32_0 : i32, i32
  }
  func.func @transform_6(%arg0: i32) -> (i32, i32) {
    %c0_i32 = arith.constant 0 : i32
    %c0_i32_0 = arith.constant 0 : i32
    %c0_i32_1 = arith.constant 0 : i32
    return %c0_i32, %c0_i32_0 : i32, i32
  }
  func.func @transform_7(%arg0: i32) -> (i32, i32) {
    %c0_i32 = arith.constant 0 : i32
    %c0_i32_0 = arith.constant 0 : i32
    %c0_i32_1 = arith.constant 0 : i32
    return %c0_i32, %c0_i32_0 : i32, i32
  }
  func.func @transform_8(%arg0: i32) -> (i32, i32) {
    %c0_i32 = arith.constant 0 : i32
    %c0_i32_0 = arith.constant 0 : i32
    %c0_i32_1 = arith.constant 0 : i32
    return %c0_i32, %c0_i32_0 : i32, i32
  }
  func.func @transform_9(%arg0: i32) -> (i32, i32) {
    %c0_i32 = arith.constant 0 : i32
    %c0_i32_0 = arith.constant 0 : i32
    %c0_i32_1 = arith.constant 0 : i32
    return %c0_i32, %c0_i32_0 : i32, i32
  }
}

module attributes {stable_mosaic.version = 14 : i64} {
  func.func @_main_kernel(%arg0: i32, %arg1: memref<512x128xf32, #tpu.memory_space<vmem>>, %arg2: memref<512x1xi32, #tpu.memory_space<vmem>>, %arg3: memref<16x512xf32, #tpu.memory_space<vmem>>, %arg4: memref<16x128xf32, #tpu.memory_space<vmem>>, %arg5: memref<16x352xf32, #tpu.memory_space<vmem>>, %arg6: memref<16x513xf32, #tpu.memory_space<vmem>>, %arg7: memref<512x352xbf16, #tpu.memory_space<vmem>>, %arg8: memref<1x352xf32, #tpu.memory_space<vmem>>, %arg9: memref<352x64xf32, #tpu.memory_space<vmem>>, %arg10: memref<1x64xf32, #tpu.memory_space<vmem>>, %arg11: memref<128x160xf32, #tpu.memory_space<vmem>>, %arg12: memref<128x160xf32, #tpu.memory_space<vmem>>, %arg13: memref<1x160xf32, #tpu.memory_space<vmem>>, %arg14: memref<160x64xf32, #tpu.memory_space<vmem>>, %arg15: memref<1x64xf32, #tpu.memory_space<vmem>>, %arg16: memref<64x320xf32, #tpu.memory_space<vmem>>, %arg17: memref<513x320xf32, #tpu.memory_space<vmem>>, %arg18: memref<1x320xf32, #tpu.memory_space<vmem>>, %arg19: memref<320x64xf32, #tpu.memory_space<vmem>>, %arg20: memref<1x64xf32, #tpu.memory_space<vmem>>, %arg21: memref<16x64xf32, #tpu.memory_space<vmem>>, %arg22: memref<16x64xf32, #tpu.memory_space<vmem>>) attributes {dimension_semantics = [#tpu.dimension_semantics<arbitrary>], iteration_bounds = array<i64: 8>, scalar_prefetch = 0 : i64, scratch_operands = 1 : i64, tpu.core_type = #tpu.core_type<tc>, window_params = [{transform_indices = @transform_0, window_bounds = array<i64: 512, 128>}, {transform_indices = @transform_1, window_bounds = array<i64: 512, 1>}, {transform_indices = @transform_2, window_bounds = array<i64: 16, 512>}, {pipeline_mode = #tpu.pipeline_mode<synchronous>, transform_indices = @transform_3, window_bounds = array<i64: 16, 128>}, {pipeline_mode = #tpu.pipeline_mode<synchronous>, transform_indices = @transform_4, window_bounds = array<i64: 16, 352>}, {pipeline_mode = #tpu.pipeline_mode<synchronous>, transform_indices = @transform_5, window_bounds = array<i64: 16, 513>}, {pipeline_mode = #tpu.pipeline_mode<synchronous>, transform_indices = @transform_6, window_bounds = array<i64: 512, 352>}, {pipeline_mode = #tpu.pipeline_mode<synchronous>, transform_indices = @transform_7, window_bounds = array<i64: 1, 352>}, {pipeline_mode = #tpu.pipeline_mode<synchronous>, transform_indices = @transform_8, window_bounds = array<i64: 352, 64>}, {pipeline_mode = #tpu.pipeline_mode<synchronous>, transform_indices = @transform_9, window_bounds = array<i64: 1, 64>}, {pipeline_mode = #tpu.pipeline_mode<synchronous>, transform_indices = @transform_10, window_bounds = array<i64: 128, 160>}, {pipeline_mode = #tpu.pipeline_mode<synchronous>, transform_indices = @transform_11, window_bounds = array<i64: 128, 160>}, {pipeline_mode = #tpu.pipeline_mode<synchronous>, transform_indices = @transform_12, window_bounds = array<i64: 1, 160>}, {pipeline_mode = #tpu.pipeline_mode<synchronous>, transform_indices = @transform_13, window_bounds = array<i64: 160, 64>}, {pipeline_mode = #tpu.pipeline_mode<synchronous>, transform_indices = @transform_14, window_bounds = array<i64: 1, 64>}, {pipeline_mode = #tpu.pipeline_mode<synchronous>, transform_indices = @transform_15, window_bounds = array<i64: 64, 320>}, {pipeline_mode = #tpu.pipeline_mode<synchronous>, transform_indices = @transform_16, window_bounds = array<i64: 513, 320>}, {pipeline_mode = #tpu.pipeline_mode<synchronous>, transform_indices = @transform_17, window_bounds = array<i64: 1, 320>}, {pipeline_mode = #tpu.pipeline_mode<synchronous>, transform_indices = @transform_18, window_bounds = array<i64: 320, 64>}, {pipeline_mode = #tpu.pipeline_mode<synchronous>, transform_indices = @transform_19, window_bounds = array<i64: 1, 64>}, {pipeline_mode = #tpu.pipeline_mode<synchronous>, transform_indices = @transform_20, window_bounds = array<i64: 16, 64>}]} {
    %eq3A = arith.constant 0 : i32
    %eq3A_0 = arith.cmpi eq, %arg0, %eq3A : i32
    %convert_element_type3A = arith.extui %eq3A_0 : i1 to i32
    %cond3A = arith.constant 0 : i32
    %cond3A_1 = arith.cmpi ne, %convert_element_type3A, %cond3A : i32
    scf.if %cond3A_1 {
      %broadcast_in_dim3A = arith.constant 0.000000e+00 : f32
      %broadcast_in_dim3A_88 = vector.broadcast %broadcast_in_dim3A : f32 to vector<16x64xf32>
      %swap3A_89 = arith.constant 0 : index
      %swap3A_90 = arith.constant 0 : index
      %swap3A_91 = vector.load %arg22[%swap3A_89, %swap3A_90] : memref<16x64xf32, #tpu.memory_space<vmem>>, vector<16x64xf32>
      tpu.vector_store %arg22[%swap3A_89, %swap3A_90], %broadcast_in_dim3A_88 {strides = array<i32>} : memref<16x64xf32, #tpu.memory_space<vmem>>, vector<16x64xf32>,
    } else {
    }
    %get3A = arith.constant 0 : index
    %get3A_2 = arith.constant 0 : index
    %get3A_3 = vector.load %arg1[%get3A, %get3A_2] : memref<512x128xf32, #tpu.memory_space<vmem>>, vector<512x128xf32>
    %get3A_4 = arith.constant 0 : index
    %get3A_5 = arith.constant 0 : index
    %get3A_6 = vector.load %arg3[%get3A_4, %get3A_5] : memref<16x512xf32, #tpu.memory_space<vmem>>, vector<16x512xf32>
    %get3A_7 = arith.constant 0 : index
    %get3A_8 = arith.constant 0 : index
    %get3A_9 = vector.load %arg2[%get3A_7, %get3A_8] : memref<512x1xi32, #tpu.memory_space<vmem>>, vector<512x1xi32>
    %iota3A = tpu.iota {dimensions = array<i32: 1>} : vector<512x512xi32>
    %eq3A_10 = vector.broadcast %get3A_9 : vector<512x1xi32> to vector<512x512xi32>
    %eq3A_11 = arith.cmpi eq, %eq3A_10, %iota3A : vector<512x512xi32>
    %convert_element_type3A_12 = arith.extui %eq3A_11 : vector<512x512xi1> to vector<512x512xi32>
    %convert_element_type3A_13 = arith.sitofp %convert_element_type3A_12 : vector<512x512xi32> to vector<512x512xf32>
    %convert_element_type3A_14 = arith.truncf %convert_element_type3A_13 : vector<512x512xf32> to vector<512x512xbf16>
    %get3A_15 = arith.constant 0 : index
    %get3A_16 = arith.constant 0 : index
    %get3A_17 = vector.load %arg7[%get3A_15, %get3A_16] : memref<512x352xbf16, #tpu.memory_space<vmem>>, vector<512x352xbf16>
    %dot_general3A = arith.constant dense<0.000000e+00> : vector<512x352xf32>
    %dot_general3A_18 = tpu.matmul %convert_element_type3A_14, %get3A_17, %dot_general3A {dimension_numbers = #tpu.dot_dimension_numbers<[1], [0], [0], [1], [0, 0, 1, 1], [], []>, transpose_lhs_hint = false} : vector<512x512xbf16>, vector<512x352xbf16>, vector<512x352xf32> -> vector<512x352xf32>
    %get3A_19 = arith.constant 0 : index
    %get3A_20 = arith.constant 0 : index
    %get3A_21 = vector.load %arg5[%get3A_19, %get3A_20] : memref<16x352xf32, #tpu.memory_space<vmem>>, vector<16x352xf32>
    %dot_general3A_22 = arith.constant dense<0.000000e+00> : vector<512x352xf32>
    %dot_general3A_23 = tpu.matmul %get3A_6, %get3A_21, %dot_general3A_22 {dimension_numbers = #tpu.dot_dimension_numbers<[0], [0], [1], [1], [0, 1, 1, 1], [], []>, transpose_lhs_hint = false} : vector<16x512xf32>, vector<16x352xf32>, vector<512x352xf32> -> vector<512x352xf32>
    %add3A = arith.addf %dot_general3A_18, %dot_general3A_23 : vector<512x352xf32>
    %get3A_24 = arith.constant 0 : index
    %get3A_25 = arith.constant 0 : index
    %get3A_26 = vector.load %arg8[%get3A_24, %get3A_25] : memref<1x352xf32, #tpu.memory_space<vmem>>, vector<1x352xf32>
    %add3A_27 = vector.broadcast %get3A_26 : vector<1x352xf32> to vector<512x352xf32>
    %add3A_28 = arith.addf %add3A, %add3A_27 : vector<512x352xf32>
    %max3A = arith.constant 0.000000e+00 : f32
    %max3A_29 = vector.broadcast %max3A : f32 to vector<512x352xf32>
    %max3A_30 = arith.maximumf %add3A_28, %max3A_29 : vector<512x352xf32>
    %get3A_31 = arith.constant 0 : index
    %get3A_32 = arith.constant 0 : index
    %get3A_33 = vector.load %arg9[%get3A_31, %get3A_32] : memref<352x64xf32, #tpu.memory_space<vmem>>, vector<352x64xf32>
    %dot_general3A_34 = arith.constant dense<0.000000e+00> : vector<512x64xf32>
    %dot_general3A_35 = tpu.matmul %max3A_30, %get3A_33, %dot_general3A_34 {dimension_numbers = #tpu.dot_dimension_numbers<[1], [0], [0], [1], [0, 0, 1, 1], [], []>, transpose_lhs_hint = false} : vector<512x352xf32>, vector<352x64xf32>, vector<512x64xf32> -> vector<512x64xf32>
    %get3A_36 = arith.constant 0 : index
    %get3A_37 = arith.constant 0 : index
    %get3A_38 = vector.load %arg10[%get3A_36, %get3A_37] : memref<1x64xf32, #tpu.memory_space<vmem>>, vector<1x64xf32>
    %add3A_39 = vector.broadcast %get3A_38 : vector<1x64xf32> to vector<512x64xf32>
    %add3A_40 = arith.addf %dot_general3A_35, %add3A_39 : vector<512x64xf32>
    %get3A_41 = arith.constant 0 : index
    %get3A_42 = arith.constant 0 : index
    %get3A_43 = vector.load %arg4[%get3A_41, %get3A_42] : memref<16x128xf32, #tpu.memory_space<vmem>>, vector<16x128xf32>
    %dot_general3A_44 = arith.constant dense<0.000000e+00> : vector<512x128xf32>
    %dot_general3A_45 = tpu.matmul %get3A_6, %get3A_43, %dot_general3A_44 {dimension_numbers = #tpu.dot_dimension_numbers<[0], [0], [1], [1], [0, 1, 1, 1], [], []>, transpose_lhs_hint = false} : vector<16x512xf32>, vector<16x128xf32>, vector<512x128xf32> -> vector<512x128xf32>
    %get3A_46 = arith.constant 0 : index
    %get3A_47 = arith.constant 0 : index
    %get3A_48 = vector.load %arg11[%get3A_46, %get3A_47] : memref<128x160xf32, #tpu.memory_space<vmem>>, vector<128x160xf32>
    %dot_general3A_49 = arith.constant dense<0.000000e+00> : vector<512x160xf32>
    %dot_general3A_50 = tpu.matmul %get3A_3, %get3A_48, %dot_general3A_49 {dimension_numbers = #tpu.dot_dimension_numbers<[1], [0], [0], [1], [0, 0, 1, 1], [], []>, transpose_lhs_hint = false} : vector<512x128xf32>, vector<128x160xf32>, vector<512x160xf32> -> vector<512x160xf32>
    %get3A_51 = arith.constant 0 : index
    %get3A_52 = arith.constant 0 : index
    %get3A_53 = vector.load %arg12[%get3A_51, %get3A_52] : memref<128x160xf32, #tpu.memory_space<vmem>>, vector<128x160xf32>
    %dot_general3A_54 = arith.constant dense<0.000000e+00> : vector<512x160xf32>
    %dot_general3A_55 = tpu.matmul %dot_general3A_45, %get3A_53, %dot_general3A_54 {dimension_numbers = #tpu.dot_dimension_numbers<[1], [0], [0], [1], [0, 0, 1, 1], [], []>, transpose_lhs_hint = false} : vector<512x128xf32>, vector<128x160xf32>, vector<512x160xf32> -> vector<512x160xf32>
    %add3A_56 = arith.addf %dot_general3A_50, %dot_general3A_55 : vector<512x160xf32>
    %get3A_57 = arith.constant 0 : index
    %get3A_58 = arith.constant 0 : index
    %get3A_59 = vector.load %arg13[%get3A_57, %get3A_58] : memref<1x160xf32, #tpu.memory_space<vmem>>, vector<1x160xf32>
    %add3A_60 = vector.broadcast %get3A_59 : vector<1x160xf32> to vector<512x160xf32>
    %add3A_61 = arith.addf %add3A_56, %add3A_60 : vector<512x160xf32>
    %max3A_62 = arith.constant 0.000000e+00 : f32
    %max3A_63 = vector.broadcast %max3A_62 : f32 to vector<512x160xf32>
    %max3A_64 = arith.maximumf %add3A_61, %max3A_63 : vector<512x160xf32>
    %get3A_65 = arith.constant 0 : index
    %get3A_66 = arith.constant 0 : index
    %get3A_67 = vector.load %arg14[%get3A_65, %get3A_66] : memref<160x64xf32, #tpu.memory_space<vmem>>, vector<160x64xf32>
    %dot_general3A_68 = arith.constant dense<0.000000e+00> : vector<512x64xf32>
    %dot_general3A_69 = tpu.matmul %max3A_64, %get3A_67, %dot_general3A_68 {dimension_numbers = #tpu.dot_dimension_numbers<[1], [0], [0], [1], [0, 0, 1, 1], [], []>, transpose_lhs_hint = false} : vector<512x160xf32>, vector<160x64xf32>, vector<512x64xf32> -> vector<512x64xf32>
    %get3A_70 = arith.constant 0 : index
    %get3A_71 = arith.constant 0 : index
    %get3A_72 = vector.load %arg15[%get3A_70, %get3A_71] : memref<1x64xf32, #tpu.memory_space<vmem>>, vector<1x64xf32>
    %add3A_73 = vector.broadcast %get3A_72 : vector<1x64xf32> to vector<512x64xf32>
    %add3A_74 = arith.addf %dot_general3A_69, %add3A_73 : vector<512x64xf32>
    %get3A_75 = arith.constant 0 : index
    %get3A_76 = arith.constant 0 : index
    %get3A_77 = vector.load %arg22[%get3A_75, %get3A_76] : memref<16x64xf32, #tpu.memory_space<vmem>>, vector<16x64xf32>
    %mul3A = arith.mulf %add3A_74, %add3A_40 : vector<512x64xf32>
    %dot_general3A_78 = arith.constant dense<0.000000e+00> : vector<16x64xf32>
    %dot_general3A_79 = tpu.matmul %get3A_6, %mul3A, %dot_general3A_78 {dimension_numbers = #tpu.dot_dimension_numbers<[1], [0], [0], [1], [0, 0, 1, 1], [], []>, transpose_lhs_hint = false} : vector<16x512xf32>, vector<512x64xf32>, vector<16x64xf32> -> vector<16x64xf32>
    %add3A_80 = arith.addf %get3A_77, %dot_general3A_79 : vector<16x64xf32>
    %swap3A = arith.constant 0 : index
    %swap3A_81 = arith.constant 0 : index
    %swap3A_82 = vector.load %arg22[%swap3A, %swap3A_81] : memref<16x64xf32, #tpu.memory_space<vmem>>, vector<16x64xf32>
    tpu.vector_store %arg22[%swap3A, %swap3A_81], %add3A_80 {strides = array<i32>} : memref<16x64xf32, #tpu.memory_space<vmem>>, vector<16x64xf32>,
    %eq3A_83 = arith.constant 7 : i32
    %eq3A_84 = arith.cmpi eq, %arg0, %eq3A_83 : i32
    %convert_element_type3A_85 = arith.extui %eq3A_84 : i1 to i32
    %cond3A_86 = arith.constant 0 : i32
    %cond3A_87 = arith.cmpi ne, %convert_element_type3A_85, %cond3A_86 : i32
    scf.if %cond3A_87 {
      %get3A_88 = arith.constant 0 : index
      %get3A_89 = arith.constant 0 : index
      %get3A_90 = vector.load %arg6[%get3A_88, %get3A_89] : memref<16x513xf32, #tpu.memory_space<vmem>>, vector<16x513xf32>
      %get3A_91 = arith.constant 0 : index
      %get3A_92 = arith.constant 0 : index
      %get3A_93 = vector.load %arg17[%get3A_91, %get3A_92] : memref<513x320xf32, #tpu.memory_space<vmem>>, vector<513x320xf32>
      %dot_general3A_94 = arith.constant dense<0.000000e+00> : vector<16x320xf32>
      %dot_general3A_95 = tpu.matmul %get3A_90, %get3A_93, %dot_general3A_94 {dimension_numbers = #tpu.dot_dimension_numbers<[1], [0], [0], [1], [0, 0, 1, 1], [], []>, transpose_lhs_hint = false} : vector<16x513xf32>, vector<513x320xf32>, vector<16x320xf32> -> vector<16x320xf32>
      %get3A_96 = arith.constant 0 : index
      %get3A_97 = arith.constant 0 : index
      %get3A_98 = vector.load %arg22[%get3A_96, %get3A_97] : memref<16x64xf32, #tpu.memory_space<vmem>>, vector<16x64xf32>
      %get3A_99 = arith.constant 0 : index
      %get3A_100 = arith.constant 0 : index
      %get3A_101 = vector.load %arg16[%get3A_99, %get3A_100] : memref<64x320xf32, #tpu.memory_space<vmem>>, vector<64x320xf32>
      %dot_general3A_102 = arith.constant dense<0.000000e+00> : vector<16x320xf32>
      %dot_general3A_103 = tpu.matmul %get3A_98, %get3A_101, %dot_general3A_102 {dimension_numbers = #tpu.dot_dimension_numbers<[1], [0], [0], [1], [0, 0, 1, 1], [], []>, transpose_lhs_hint = false} : vector<16x64xf32>, vector<64x320xf32>, vector<16x320xf32> -> vector<16x320xf32>
      %add3A_104 = arith.addf %dot_general3A_103, %dot_general3A_95 : vector<16x320xf32>
      %get3A_105 = arith.constant 0 : index
      %get3A_106 = arith.constant 0 : index
      %get3A_107 = vector.load %arg18[%get3A_105, %get3A_106] : memref<1x320xf32, #tpu.memory_space<vmem>>, vector<1x320xf32>
      %add3A_108 = vector.broadcast %get3A_107 : vector<1x320xf32> to vector<16x320xf32>
      %add3A_109 = arith.addf %add3A_104, %add3A_108 : vector<16x320xf32>
      %max3A_110 = arith.constant 0.000000e+00 : f32
      %max3A_111 = vector.broadcast %max3A_110 : f32 to vector<16x320xf32>
      %max3A_112 = arith.maximumf %add3A_109, %max3A_111 : vector<16x320xf32>
      %get3A_113 = arith.constant 0 : index
      %get3A_114 = arith.constant 0 : index
      %get3A_115 = vector.load %arg19[%get3A_113, %get3A_114] : memref<320x64xf32, #tpu.memory_space<vmem>>, vector<320x64xf32>
      %dot_general3A_116 = arith.constant dense<0.000000e+00> : vector<16x64xf32>
      %dot_general3A_117 = tpu.matmul %max3A_112, %get3A_115, %dot_general3A_116 {dimension_numbers = #tpu.dot_dimension_numbers<[1], [0], [0], [1], [0, 0, 1, 1], [], []>, transpose_lhs_hint = false} : vector<16x320xf32>, vector<320x64xf32>, vector<16x64xf32> -> vector<16x64xf32>
      %get3A_118 = arith.constant 0 : index
      %get3A_119 = arith.constant 0 : index
      %get3A_120 = vector.load %arg20[%get3A_118, %get3A_119] : memref<1x64xf32, #tpu.memory_space<vmem>>, vector<1x64xf32>
      %add3A_121 = vector.broadcast %get3A_120 : vector<1x64xf32> to vector<16x64xf32>
      %add3A_122 = arith.addf %dot_general3A_117, %add3A_121 : vector<16x64xf32>
      %swap3A_123 = arith.constant 0 : index
      %swap3A_124 = arith.constant 0 : index
      %swap3A_125 = vector.load %arg21[%swap3A_123, %swap3A_124] : memref<16x64xf32, #tpu.memory_space<vmem>>, vector<16x64xf32>
      tpu.vector_store %arg21[%swap3A_123, %swap3A_124], %add3A_122 {strides = array<i32>} : memref<16x64xf32, #tpu.memory_space<vmem>>, vector<16x64xf32>,
    } else {
    }
    return
  }
  func.func @transform_0(%arg0: i32) -> (i32, i32) {
    %c0_i32 = arith.constant 0 : i32
    %c0_i32_0 = arith.constant 0 : i32
    return %arg0, %c0_i32 : i32, i32
  }
  func.func @transform_1(%arg0: i32) -> (i32, i32) {
    %c0_i32 = arith.constant 0 : i32
    %c0_i32_0 = arith.constant 0 : i32
    return %arg0, %c0_i32 : i32, i32
  }
  func.func @transform_2(%arg0: i32) -> (i32, i32) {
    %c0_i32 = arith.constant 0 : i32
    %c0_i32_0 = arith.constant 0 : i32
    return %c0_i32, %arg0 : i32, i32
  }
  func.func @transform_3(%arg0: i32) -> (i32, i32) {
    %c0_i32 = arith.constant 0 : i32
    %c0_i32_0 = arith.constant 0 : i32
    %c0_i32_1 = arith.constant 0 : i32
    return %c0_i32, %c0_i32_0 : i32, i32
  }
  func.func @transform_4(%arg0: i32) -> (i32, i32) {
    %c0_i32 = arith.constant 0 : i32
    %c0_i32_0 = arith.constant 0 : i32
    %c0_i32_1 = arith.constant 0 : i32
    return %c0_i32, %c0_i32_0 : i32, i32
  }
  func.func @transform_5(%arg0: i32) -> (i32, i32) {
    %c0_i32 = arith.constant 0 : i32
    %c0_i32_0 = arith.constant 0 : i32
    %c0_i32_1 = arith.constant 0 : i32
    return %c0_i32, %c0_i32_0 : i32, i32
  }
  func.func @transform_6(%arg0: i32) -> (i32, i32) {
    %c0_i32 = arith.constant 0 : i32
    %c0_i32_0 = arith.constant 0 : i32
    %c0_i32_1 = arith.constant 0 : i32
    return %c0_i32, %c0_i32_0 : i32, i32
  }
  func.func @transform_7(%arg0: i32) -> (i32, i32) {
    %c0_i32 = arith.constant 0 : i32
    %c0_i32_0 = arith.constant 0 : i32
    %c0_i32_1 = arith.constant 0 : i32
    return %c0_i32, %c0_i32_0 : i32, i32
  }
  func.func @transform_8(%arg0: i32) -> (i32, i32) {
    %c0_i32 = arith.constant 0 : i32
    %c0_i32_0 = arith.constant 0 : i32
    %c0_i32_1 = arith.constant 0 : i32
    return %c0_i32, %c0_i32_0 : i32, i32
  }
  func.func @transform_9(%arg0: i32) -> (i32, i32) {
    %c0_i32 = arith.constant 0 : i32
    %c0_i32_0 = arith.constant 0 : i32
    %c0_i32_1 = arith.constant 0 : i32
    return %c0_i32, %c0_i32_0 : i32, i32
  }
  func.func @transform_10(%arg0: i32) -> (i32, i32) {
    %c0_i32 = arith.constant 0 : i32
    %c0_i32_0 = arith.constant 0 : i32
    %c0_i32_1 = arith.constant 0 : i32
    return %c0_i32, %c0_i32_0 : i32, i32
  }
  func.func @transform_11(%arg0: i32) -> (i32, i32) {
    %c0_i32 = arith.constant 0 : i32
    %c0_i32_0 = arith.constant 0 : i32
    %c0_i32_1 = arith.constant 0 : i32
    return %c0_i32, %c0_i32_0 : i32, i32
  }
  func.func @transform_12(%arg0: i32) -> (i32, i32) {
    %c0_i32 = arith.constant 0 : i32
    %c0_i32_0 = arith.constant 0 : i32
    %c0_i32_1 = arith.constant 0 : i32
    return %c0_i32, %c0_i32_0 : i32, i32
  }
  func.func @transform_13(%arg0: i32) -> (i32, i32) {
    %c0_i32 = arith.constant 0 : i32
    %c0_i32_0 = arith.constant 0 : i32
    %c0_i32_1 = arith.constant 0 : i32
    return %c0_i32, %c0_i32_0 : i32, i32
  }
  func.func @transform_14(%arg0: i32) -> (i32, i32) {
    %c0_i32 = arith.constant 0 : i32
    %c0_i32_0 = arith.constant 0 : i32
    %c0_i32_1 = arith.constant 0 : i32
    return %c0_i32, %c0_i32_0 : i32, i32
  }
  func.func @transform_15(%arg0: i32) -> (i32, i32) {
    %c0_i32 = arith.constant 0 : i32
    %c0_i32_0 = arith.constant 0 : i32
    %c0_i32_1 = arith.constant 0 : i32
    return %c0_i32, %c0_i32_0 : i32, i32
  }
  func.func @transform_16(%arg0: i32) -> (i32, i32) {
    %c0_i32 = arith.constant 0 : i32
    %c0_i32_0 = arith.constant 0 : i32
    %c0_i32_1 = arith.constant 0 : i32
    return %c0_i32, %c0_i32_0 : i32, i32
  }
  func.func @transform_17(%arg0: i32) -> (i32, i32) {
    %c0_i32 = arith.constant 0 : i32
    %c0_i32_0 = arith.constant 0 : i32
    %c0_i32_1 = arith.constant 0 : i32
    return %c0_i32, %c0_i32_0 : i32, i32
  }
  func.func @transform_18(%arg0: i32) -> (i32, i32) {
    %c0_i32 = arith.constant 0 : i32
    %c0_i32_0 = arith.constant 0 : i32
    %c0_i32_1 = arith.constant 0 : i32
    return %c0_i32, %c0_i32_0 : i32, i32
  }
  func.func @transform_19(%arg0: i32) -> (i32, i32) {
    %c0_i32 = arith.constant 0 : i32
    %c0_i32_0 = arith.constant 0 : i32
    %c0_i32_1 = arith.constant 0 : i32
    return %c0_i32, %c0_i32_0 : i32, i32
  }
  func.func @transform_20(%arg0: i32) -> (i32, i32) {
    %c0_i32 = arith.constant 0 : i32
    %c0_i32_0 = arith.constant 0 : i32
    %c0_i32_1 = arith.constant 0 : i32
    return %c0_i32, %c0_i32_0 : i32, i32
  }
}

</mosaic_0001>

<sc_bundles>
// kernel: kernel.8.cloned.1.call-start
scs
__scs_entry_jumppad:
0x0: {  	(pc) =	sbr.rel $0x88, $3  }
0x1: {  	(tag) =	ssettag $0x0;
	lr =	simm.s32 $0x1  }
0x2: {  	[smem:$0x3F85] =	sst lr;
	_ =	strace $0xD0000000  }
0x3: {  	_ = 	snop  }
0x4: {  	_ = 	snop  }
0x5: {  	_ = 	snop  }
0x6: {  	_ = 	snop  }
0x7: {  	_ = 	snop  }
__scs_overlays_trampoline_lowered:
0x8: {  	[smem:$0x3F94] =	sst s0  }
0x9: {  	[smem:$0x3F95] =	sst s1  }
0xa: {  	[smem:$0x3F96] =	sst s2  }
0xb: {  	[smem:$0x3F97] =	sst s3  }
0xc: {  	[smem:$0x3F98] =	sst s4  }
0xd: {  	[smem:$0x3F99] =	sst s5  }
0xe: {  	[smem:$0x3F9A] =	sst s6  }
0xf: {  	[smem:$0x3F9B] =	sst s7  }
0x10: {  	[smem:$0x3F9C] =	sst s8  }
0x11: {  	[smem:$0x3F9D] =	sst s9;
	s0 =	simm.s32 @!p0 $0x0  }
0x12: {  	s1 =	sld [smem:$0x3F83];
	s0 =	simm.s32 @p0 $0x1  }
0x13: {  	[smem:$0x3F9E] =	sst s0;
	s0 =	simm.s32 @!p1 $0x0  }
0x14: {  	s2 =	sld [smem:$0x3F82];
	s0 =	simm.s32 @p1 $0x1  }
0x15: {  	[smem:$0x3F9F] =	sst s0;
	s0 =	simm.s32 @!p2 $0x0  }
0x16: {  	s3 =	sld [smem:$0x3FDB];
	s0 =	simm.s32 @p2 $0x1  }
0x17: {  	s4 =	simm.s32 $0x1BF5;
	[smem:$0x3FA1] =	sst s0  }
0x18: {  	s0 =	sld [smem:$0x3F84];
	_ =	swait.ge [sflag:s4], $0x0  }
0x19: {  	s7 =	sld [smem:$0x3F85]  }
0x1a: {  	s8 =	sadd.s32 $0xFFFFE003, lr  }
0x1b: {  	s9 =	sadd.s32 $0xFFFFFEF7, lr;
	s5 =	simm.s32 $0xFFFFFFFF;
	p2 =	slt.u32 s8, $0xFFFFF086  }
0x1c: {  	p1 =	slt.u32 s9, $0xF7A;
	s5 =	simm.s32 @!p2 $0x0  }
0x1d: {  	s5 =	simm.s32 @p1 $0x1;
	p0 =	seq.s32 s7, s2  }
0x1e: {  	s7 =	smul.u32 @!p0 $0xF7A, s2;
	p2 =	seq.s32 @!p0 s5, $0x0  }
0x1f: {  	s9 =	smul.u32 $0xF7A, s1;
	s8 =	simm.s32 @!p0 $0x1BF5;
	p2 =	por !p2, p0  }
0x20: {  	[sflag:s8] =	ssyncset.s32 @!p0 $0xFFFFF086;
	s6 =	sadd.s32 @!p0 s3, s7;
	s7 =	simm.s32 @!p0 $0x108  }
0x21: {  	s3 =	sadd.s32 s3, s9;
	s6 =	sadd.s32 @!p0 $0x88, s6;
	s7 =	simm.s32 @p2 $0x1082  }
0x22: {  	[simem:s7], [sflag:s8] =	dma.local @!p0 [hbm:s6], $0xF7A  }
0x23: {  	s9 =	sor.u32 $0xD0000000, s2;
	s6 =	simm.s32 $0x108;
	_ =	swait.ge @!p0 [sflag:s8], $0x0  }
0x24: {  	s3 =	sadd.s32 $0x88, s3;
	s6 =	simm.s32 @!p1 $0x1082;
	[sflag:s4] =	ssyncset.s32 $0xFFFFF086  }
0x25: {  	[simem:s6], [sflag:s4] =	dma.local [hbm:s3], $0xF7A  }
0x26: {  	[smem:$0x3F85] =	sst s1;
	(tag) =	ssettag s2;
	_ =	strace s9  }
0x27: {  	s1 =	sld [smem:$0x3F95]  }
0x28: {  	s2 =	sld [smem:$0x3F96]  }
0x29: {  	s4 =	sld [smem:$0x3F98]  }
0x2a: {  	p0 =	seq.s32 s5, $0x0;
	s5 =	sld [smem:$0x3F99]  }
0x2b: {  	s6 =	sld [smem:$0x3F9A]  }
0x2c: {  	s7 =	sld [smem:$0x3F9B]  }
0x2d: {  	s3 =	simm.s32 $0x108;
	s8 =	sld [smem:$0x3F9C]  }
0x2e: {  	s3 =	simm.s32 @!p0 $0x1082;
	s9 =	sld [smem:$0x3F9D]  }
0x2f: {  	lr =	sadd.s32 s0, s3;
	s0 =	sld [smem:$0x3F94]  }
0x30: {  	s3 =	sld [smem:$0x3F97]  }
0x31: {  	[smem:$0x3FA0] =	sst s10  }
0x32: {  	s10 =	sld [smem:$0x3F9E];
	_ =	sdelay $0x3  }
0x33: {  	p0 =	seq.s32 s10, $0x1;
	s10 =	sld [smem:$0x3FA0];
	_ =	sdelay $0x3  }
0x34: {  	[smem:$0x3FA0] =	sst s10  }
0x35: {  	s10 =	sld [smem:$0x3F9F];
	_ =	sdelay $0x3  }
0x36: {  	p1 =	seq.s32 s10, $0x1;
	s10 =	sld [smem:$0x3FA0];
	_ =	sdelay $0x3  }
0x37: {  	[smem:$0x3FA0] =	sst s10  }
0x38: {  	s10 =	sld [smem:$0x3FA1]  }
0x39: {  	_ = 	snop;
	(pc) =	sbr.ind lr, $3  }
0x3a: {  	_ = 	snop  }
0x3b: {  	_ = 	snop  }
0x3c: {  	p2 =	seq.s32 s10, $0x1;
	s10 =	sld [smem:$0x3FA0]  }
0x3d: {  	_ =	shalt  }
0x3e: {  	_ =	shalt  }
0x3f: {  	_ =	shalt  }
0x40: {  	_ =	shalt  }
0x41: {  	_ =	shalt  }
0x42: {  	_ =	shalt  }
0x43: {  	_ =	shalt  }
0x44: {  	_ =	shalt  }
0x45: {  	_ =	shalt  }
0x46: {  	_ =	shalt  }
0x47: {  	_ =	shalt  }
0x48: {  	_ =	shalt  }
0x49: {  	_ =	shalt  }
0x4a: {  	_ =	shalt  }
0x4b: {  	_ =	shalt  }
0x4c: {  	_ =	shalt  }
0x4d: {  	_ =	shalt  }
0x4e: {  	_ =	shalt  }
0x4f: {  	_ =	shalt  }
0x50: {  	_ =	shalt  }
0x51: {  	_ =	shalt  }
0x52: {  	_ =	shalt  }
0x53: {  	_ =	shalt  }
0x54: {  	_ =	shalt  }
0x55: {  	_ =	shalt  }
0x56: {  	_ =	shalt  }
0x57: {  	_ =	shalt  }
0x58: {  	_ =	shalt  }
0x59: {  	_ =	shalt  }
0x5a: {  	_ =	shalt  }
0x5b: {  	_ =	shalt  }
0x5c: {  	_ =	shalt  }
0x5d: {  	_ =	shalt  }
0x5e: {  	_ =	shalt  }
0x5f: {  	_ =	shalt  }
0x60: {  	_ =	shalt  }
0x61: {  	_ =	shalt  }
0x62: {  	_ =	shalt  }
0x63: {  	_ =	shalt  }
0x64: {  	_ =	shalt  }
0x65: {  	_ =	shalt  }
0x66: {  	_ =	shalt  }
0x67: {  	_ =	shalt  }
0x68: {  	_ =	shalt  }
0x69: {  	_ =	shalt  }
0x6a: {  	_ =	shalt  }
0x6b: {  	_ =	shalt  }
0x6c: {  	_ =	shalt  }
0x6d: {  	_ =	shalt  }
0x6e: {  	_ =	shalt  }
0x6f: {  	_ =	shalt  }
0x70: {  	_ =	shalt  }
0x71: {  	_ =	shalt  }
0x72: {  	_ =	shalt  }
0x73: {  	_ =	shalt  }
0x74: {  	_ =	shalt  }
0x75: {  	_ =	shalt  }
0x76: {  	_ =	shalt  }
0x77: {  	_ =	shalt  }
0x78: {  	_ =	shalt  }
0x79: {  	_ =	shalt  }
0x7a: {  	_ =	shalt  }
0x7b: {  	_ =	shalt  }
0x7c: {  	_ =	shalt  }
0x7d: {  	_ =	shalt  }
0x7e: {  	_ =	shalt  }
0x7f: {  	_ =	shalt  }
0x80: {  	_ =	shalt  }
0x81: {  	_ =	shalt  }
0x82: {  	_ =	shalt  }
0x83: {  	_ =	shalt  }
0x84: {  	_ =	shalt  }
0x85: {  	_ =	shalt  }
0x86: {  	_ =	shalt  }
0x87: {  	_ =	shalt  }
.Lfunc_end0:
.L_simem_size_0:
called_computation_lowered:
.L_overlay_start_0:
0x88: {  	s2 =	sld [smem:$0x3FD9]  }
0x89: {  	s3 =	sld [smem:$0x3FFE];
	_ =	sdelay $0x1  }
0x8a: {  	s1 =	srdreg.scid  }
0x8b: {  	s0 =	sand.u32 $0x1, s1  }
0x8c: {  	s16 =	sshll.u32 s0, $0xA;
	s2 =	sadd.s32 s3, s2  }
0x8d: {  	s2 =	sadd.s32 s2, s16  }
0x8e: {  	[smem:$0x3FAC] =	sst s2  }
0x8f: {  	_ = 	snop  }
0x90: {  	(tm) =	ssettm $0x1  }
0x91: {  	s17 =	sld [smem:$0x3FFB];
	_ =	sdelay $0x3  }
0x92: {  	_ =	strace s17  }
0x93: {  	s2 =	sld [smem:$0x3FFC];
	_ =	sdelay $0x3  }
0x94: {  	_ =	strace s2  }
0x95: {  	s2 =	sld [smem:$0x3FFD];
	_ =	sdelay $0x3  }
0x96: {  	_ =	strace s2  }
0x97: {  	_ =	strace $0x8FFFFFFF  }
0x98: {  	s18 =	sld [smem:$0x3FDB];
	_ =	sdelay $0x1  }
0x99: {  	s19 =	simm.s32 $_scs_section_size  }
0x9a: {  	s4 =	simm.s32 $_size__tile_overlayer_lowered;
	s5 =	simm.s32 $_tile_overlayer_lowered  }
0x9b: {  	s22 =	simm.s32 $0x1BFF;
	s21 =	sshll.u32 s5, $0x1;
	s2 =	sadd.s32 s19, s18  }
0x9c: {  	s6 =	simm.s32 $0x0;
	s20 =	sshll.u32 s4, $0x1;
	s4 =	sadd.s32 s21, s2  }
0x9d: {  	[timem:s6], [sflag:s22] =	dma.local [hbm:s4], s20  }
0x9e: {  	_ =	swait.ge [sflag:s22], s20  }
0x9f: {  	s3 =	ssub.s32 $0x0, s20;
	[sflag:s22] =	ssyncset.done $0x0  }
0xa0: {  	[sflag:s22] =	ssyncadd.s32 s3;
	_ =	sdelay $0x1  }
0xa1: {  	s23 =	simm.s32 $0x1B8B  }
0xa2: {  	_ =	swait.ge [sflag:s23], $0x1  }
0xa3: {  	[sflag:s23] =	ssyncset.done $0x0  }
0xa4: {  	s25 =	simm.s32 $0x1B8E;
	s24 =	sld [smem:$0x3FFE];
	[sflag:s23] =	ssyncadd.s32 $0xFFFFFFFF  }
0xa5: {  	s26 =	simm.s32 $execute0_lowered;
	[smem:$0x3FD2] =	sst s25  }
0xa6: {  	s4 =	sshll.u32 s26, $0x1;
	_ =	strace $0x80000046;
	[dreg:$0x1] =	wrdreg $0xFFFFFFFF  }
0xa7: {  	s28 =	simm.s32 $_size_execute0_lowered;
	s2 =	sadd.s32 s2, s4;
	[dreg:$0x0] =	wrdreg $0x0  }
0xa8: {  	s4 =	sshll.u32 s28, $0x1;
	[dreg:$0x2] =	wrdreg s2  }
0xa9: {  	[dreg:$0x3] =	wrdreg s4  }
0xaa: {  	[dreg:$0x4] =	wrdreg $0xC0  }
0xab: {  	_ =	task [dreg:s6], $0x5FFFF  }
0xac: {  	[dreg:$0x1] =	wrdreg $0xFFFFFFFF  }
0xad: {  	[dreg:$0x0] =	wrdreg $0x60  }
0xae: {  	[dreg:$0x2] =	wrdreg s24  }
0xaf: {  	[dreg:$0x3] =	wrdreg $0x9  }
0xb0: {  	_ =	task.clear_ibuf [dreg:s6], $0x4FFFF;
	_ =	strace $0x90000046  }
0xb1: {  	s29 =	simm.s32 $0x9;
	_ =	strace $0x80000048  }
0xb2: {  	_ =	swait.ge [sflag:s29], $0x1  }
0xb3: {  	[sflag:s29] =	ssyncadd.s32 $0xFFFFFFFF  }
0xb4: {  	_ =	strace $0x90000048  }
0xb5: {  	_ =	sfence  }
0xb6: {  	s30 =	sld [smem:$0x0];
	_ =	sdelay $0x2  }
0xb7: {  	s31 =	sshll.u32 s1, $0xD;
	s1 =	sshrl.u32 s1, $0x2  }
0xb8: {  	s3 =	sand.u32 $0x4000, s31;
	s1 =	sadd.s32 s1, s30  }
0xb9: {  	s0 =	sor.u32 s3, s0;
	s1 =	sshll.u32 s1, $0x11  }
0xba: {  	s0 =	sor.u32 s1, s0  }
0xbb: {  	s0 =	sadd.s32 $0x8F2B, s0  }
0xbc: {  	[sflag:s0] =	ssyncadd.remote.s32 $0x1  }
0xbd: {  	_ =	sfence.sel $0xFFFF  }
0xbe: {  	[dreg:$0x0] =	wrdreg $0xFFFFFFFF;
	(pc) =	sbr.abs _section_cstart, $3  }
0xbf: {  	[dreg:$0x1] =	wrdreg $0xFFFFFFFF  }
0xc0: {  	_ =	task.clear_ibuf [dreg:s6], $0x2FFFF;
	_ =	strace $0x9FFFFFFF  }
0xc1: {  	(tm) =	ssettm $0x7FFFFFFF  }
tec
execute0_lowered:
.L_overlay_start_1:
0x0: {  	(tag) =	ssettag $0x1  }
0x1: {  	s1 =	srdreg.scid  }
0x2: {  	s0 =	stileid.u32;
	s6 =	sand.u32 $0x1, s1  }
0x3: {  	s8 =	rddreg [dreg:$0x0];
	s30 =	sshll.u32 s0, $0x8;
	s2 =	sshll.u32 s6, $0x7  }
0x4: {  	s7 =	simm.s32 $0x1;
	s1 =	rddreg [dreg:$0x1];
	s9 =	sor.u32 s2, s30  }
0x5: {  	s5 =	sadd.s32 $0x4000, s8;
	s2 =	simm.s32 $0x0;
	s3 =	sshrl.u32 s9, $0x3  }
0x6: {  	s10 =	ssub.s32 $0x2, s6;
	[smem:$0x7FF] =	sst s2;
	s3 =	sadd.s32 s3, s8  }
0x7: {  	_ =	strace $0x80000047;
	s4 =	sadd.s32 $0x6000, s3;
	s3 =	simm.s32 $0x2  }
0x8: {  	[tilespmem:s2], [sflag:$0x2] =	stream.linear.gather [hbm4b:s4+s2], $0x80, $0x38;
	[tilespmem:$0x4080] =	vst v63  }
0x9: {  	s6 =	simm.s32 $0x80;
	s11 =	sshrl.u32 s10, $0x1;
	_ =	swait.ge [sflag:s3], $0x80  }
0xa: {  	s9 =	sshll.u32 s9, $0x4;
	s31 =	ssub.s32 s10, s11;
	[sflag:s3] =	ssyncset.done $0x0  }
0xb: {  	s8 =	sadd.s32 s9, s8;
	s9 =	smax.u32 s31, $0x1;
	[sflag:s3] =	ssyncadd.s32 $0xFFFFFF80  }
0xc: {  	[tilespmem:s6], [sflag:$0x1] =	stream.indirect.gather [hbm4b:s5+s6], $0x80, s2, s6, $0xb8;
	[tilespmem:$0x4080] =	vst v63  }
0xd: {  	p0 =	sne.s32 s9, $0x1;
	_ =	swait.ge [sflag:s7], $0x4000  }
.Ltmp0:
0xe: {  	[sflag:s7] =	ssyncset.done $0x0;
	(pc) =	sbr.rel @!p0 .LBB2_2-.Ltmp0, $4  }
0xf: {  	s8 =	sadd.s32 $0x6200, s8;
	[sflag:s7] =	ssyncadd.s32 $0xFFFFC000  }
0x10: {  	[hbm4b:s8+s2] =	stream.linear.scatter [tilespmem:s6], [sflag:$0x2], $0x4000, $0x38;
	[tilespmem:$0x4080] =	vst v63  }
0x11: {  	_ =	swait.ge [sflag:s3], $0x4000  }
0x12: {  	s9 =	sadd.s32 $0xFFFFFFFF, s9;
	[sflag:s3] =	ssyncset.done $0x0  }
.LBB2_1:
0x13: {  	p0 =	sne.s32 s9, $0x1;
	s9 =	sadd.s32 $0xFFFFFFFF, s9;
	[sflag:s3] =	ssyncadd.s32 $0xFFFFC000  }
0x14: {  	[tilespmem:s2], [sflag:$0x2] =	stream.linear.gather [hbm4b:s4+s2], $0x80, $0x38;
	[tilespmem:$0x4080] =	vst v63  }
0x15: {  	_ =	swait.ge [sflag:s3], $0x80  }
0x16: {  	[sflag:s3] =	ssyncset.done $0x0  }
0x17: {  	[sflag:s3] =	ssyncadd.s32 $0xFFFFFF80  }
0x18: {  	[tilespmem:s6], [sflag:$0x1] =	stream.indirect.gather [hbm4b:s5+s6], $0x80, s2, s6, $0xb8;
	[tilespmem:$0x4080] =	vst v63  }
0x19: {  	_ =	swait.ge [sflag:s7], $0x4000  }
.Ltmp1:
0x1a: {  	[sflag:s7] =	ssyncset.done $0x0;
	(pc) =	sbr.rel @p0 .LBB2_1-.Ltmp1, $4  }
0x1b: {  	[sflag:s7] =	ssyncadd.s32 $0xFFFFC000  }
0x1c: {  	[hbm4b:s8+s2] =	stream.linear.scatter [tilespmem:s6], [sflag:$0x2], $0x4000, $0x38;
	[tilespmem:$0x4080] =	vst v63  }
0x1d: {  	_ =	swait.ge [sflag:s3], $0x4000  }
0x1e: {  	[sflag:s3] =	ssyncset.done $0x0  }
.LBB2_2:
0x1f: {  	[sflag:s3] =	ssyncadd.s32 $0xFFFFC000  }
0x20: {  	_ =	sfence.sel $0x180000  }
0x21: {  	[bflag:$0x0] =	sbarrier.arrive $0xFFFF  }
0x22: {  	p0 =	sne.s32 s0, $0x0;
	_ =	strace $0x90000047  }
0x23: {  	s0 =	sadd.s32 @!p0 $0x100000, s1;
	[bflag:$0x2] =	sbarrier.arrive $0xFFFF  }
0x24: {  	[sflag:s0] =	ssyncadd.tile.s32 @!p0 $0x1;
	_ =	shalt  }
.Lfunc_end2:
_tile_overlayer_lowered:
.L_overlay_start_2:
0x25: {  	(tag) =	ssettag $0x2  }
0x26: {  	s0 =	rddreg [dreg:$0x0];
	s2 =	stileid.u32  }
0x27: {  	s1 =	rddreg [dreg:$0x1];
	p0 =	sne.s32 s2, $0x0  }
0x28: {  	s3 =	rddreg [dreg:$0x2];
	[bflag:$0x3] =	sbarrier.arrive $0xFFFF;
	s2 =	simm.s32 @!p0 $0x1C02  }
0x29: {  	[timem:s3], [sflag:s2] =	dma.local @!p0 [hbm:s0], s1  }
0x2a: {  	s0 =	simm.s32 @!p0 $0x2  }
0x2b: {  	_ =	swait.ge @!p0 [sflag:s0], s1  }
0x2c: {  	s1 =	ssub.s32 @!p0 $0x0, s1;
	[sflag:s0] =	ssyncset.done @!p0 $0x0  }
0x2d: {  	[sflag:s0] =	ssyncadd.s32 @!p0 s1  }
0x2e: {  	[bflag:$0x3] =	sbarrier.arrive $0xFFFF  }
0x2f: {  	_ =	shalt  }

</sc_bundles>
